<compile_context>
chip_gen: v7x
topology: tpu7x:2x2x1
jax: 0.10.2.dev20260603
libtpu: 0.0.44.dev20260713+nightly
codegen_flags: <defaults>
</compile_context>

<pallas_src>
import functools

import jax
import jax.numpy as jnp
from jax import lax
from jax.experimental import pallas as pl
from jax.experimental.pallas import tpu as pltpu
from jax.experimental.pallas import tpu_sc as plsc

D = 4
B = 4096
F = 1024
EPS = 1e-3

NC = 2
NS = 16
NW = NC * NS
ROWS = B // NW
CH = 16
NCH = ROWS // CH
LANES = 16
VPR = F // LANES
UNROLL = 8

_HI = -65536


def _tables_body(gg, gb, dg, db, mm, mv, st_ref):
    for d in range(D):
        s = (gg[0] * dg[d]) * lax.rsqrt(mv[d, :] + EPS)
        t = (gb[0] + db[d]) - s * mm[d, :]
        si = lax.bitcast_convert_type(s, jnp.int32)
        ti = lax.bitcast_convert_type(t, jnp.int32)
        sw = (si + 0x8000) & _HI
        tw = lax.shift_right_logical(ti + 0x8000, 16)
        st_ref[pl.ds(d * F, F)] = sw | tw


def _compute_tables(gg, gb, dg, db, mm, mv):
    return pl.pallas_call(
        _tables_body,
        in_specs=[
            pl.BlockSpec(memory_space=pltpu.SMEM),
            pl.BlockSpec(memory_space=pltpu.SMEM),
            pl.BlockSpec(memory_space=pltpu.SMEM),
            pl.BlockSpec(memory_space=pltpu.SMEM),
            pl.BlockSpec(),
            pl.BlockSpec(),
        ],
        out_shape=jax.ShapeDtypeStruct((D * F,), jnp.int32),
    )(gg, gb, dg, db, mm, mv)


def _sc_body(x_hbm, ids_hbm, st_hbm, out_hbm,
             ids_v, st_v, xbuf, obuf, offs_smem, in_sems, out_sems):
    wid = lax.axis_index("s") * NC + lax.axis_index("c")
    base = wid * ROWS

    for b in range(2):
        pltpu.async_copy(x_hbm.at[pl.ds(base + b * CH, CH)], xbuf.at[b],
                         in_sems.at[b])
    pltpu.sync_copy(ids_hbm.at[pl.ds(base, ROWS)], ids_v)
    pltpu.sync_copy(st_hbm, st_v)

    for k in range(NCH):
        dvec = ids_v[pl.ds(k * CH, CH)] * F
        for i in range(CH):
            offs_smem[k * CH + i] = dvec[i]

    def _compute_chunk(b, c):
        @plsc.parallel_loop(0, CH)
        def row_body(i, b=b, c=c):
            o = offs_smem[c * CH + i]

            @plsc.parallel_loop(0, VPR, unroll=UNROLL)
            def vec_body(j, i=i, o=o, b=b):
                off = j * LANES
                w = st_v[pl.ds(o + off, LANES)]
                sv = lax.bitcast_convert_type(w & _HI, jnp.float32)
                tv = lax.bitcast_convert_type(lax.shift_left(w, 16),
                                              jnp.float32)
                xv = xbuf[b, i, pl.ds(off, LANES)]
                obuf[b, i, pl.ds(off, LANES)] = xv * sv + tv

    def round_body(g, carry):
        for b in range(2):
            c = 2 * g + b
            r0 = base + c * CH
            pltpu.make_async_copy(x_hbm.at[pl.ds(r0, CH)], xbuf.at[b],
                                  in_sems.at[b]).wait()

            @pl.when(g > 0)
            def _(b=b, c=c):
                pltpu.make_async_copy(
                    obuf.at[b], out_hbm.at[pl.ds(base + (c - 2) * CH, CH)],
                    out_sems.at[b]).wait()

            _compute_chunk(b, c)
            pltpu.async_copy(obuf.at[b], out_hbm.at[pl.ds(r0, CH)],
                             out_sems.at[b])

            @pl.when(g < NCH // 2 - 1)
            def _(b=b, r0=r0):
                pltpu.async_copy(x_hbm.at[pl.ds(r0 + 2 * CH, CH)],
                                 xbuf.at[b], in_sems.at[b])

        return carry

    lax.fori_loop(0, NCH // 2, round_body, 0)
    for b in range(2):
        pltpu.make_async_copy(
            obuf.at[b], out_hbm.at[pl.ds(base + (NCH - 2 + b) * CH, CH)],
            out_sems.at[b]).wait()


@functools.partial(
    pl.kernel,
    out_type=jax.ShapeDtypeStruct((B, F), jnp.float32),
    mesh=plsc.VectorSubcoreMesh(core_axis_name="c", subcore_axis_name="s"),
    scratch_types=[
        pltpu.VMEM((ROWS,), jnp.int32),
        pltpu.VMEM((D * F,), jnp.int32),
        pltpu.VMEM((2, CH, F), jnp.float32),
        pltpu.VMEM((2, CH, F), jnp.float32),
        pltpu.SMEM((ROWS,), jnp.int32),
        pltpu.SemaphoreType.DMA((2,)),
        pltpu.SemaphoreType.DMA((2,)),
    ],
)
def _sc_apply(x_hbm, ids_hbm, st_hbm, out_hbm,
              ids_v, st_v, xbuf, obuf, offs_smem, in_sems, out_sems):
    _sc_body(x_hbm, ids_hbm, st_hbm, out_hbm,
             ids_v, st_v, xbuf, obuf, offs_smem, in_sems, out_sems)


def kernel(features, domain_types_idx, global_gamma, global_beta,
           domain_gammas, domain_betas, moving_means, moving_vars):
    st_tab = _compute_tables(global_gamma, global_beta,
                             domain_gammas, domain_betas,
                             moving_means, moving_vars)
    ids = domain_types_idx.reshape(-1)
    return _sc_apply(features, ids, st_tab)

# --- scband reference (transcript-rebuilt; emitter-appended) ---
"""Pipeline reference for scband-partitioned-normalization-70480413328182 (READ-ONLY COPY).

The authoritative reference and input builder live on the scoring server;
editing this copy changes nothing except your own understanding.
"""

import jax, jax.numpy as jnp
import numpy as np

D = 4          # number of domains
B = 4096       # batch size
F = 1024       # feature size
EPS = 1e-3     # keras BatchNormalization default epsilon


def setup_inputs(seed: int = 0) -> dict:
    key = jax.random.key(seed)
    k1, k2 = jax.random.split(key)
    features = jax.random.normal(k1, (B, F), dtype=jnp.float32)
    domain_types_idx = jax.random.randint(k2, (B, 1), 0, D, dtype=jnp.int32)
    # Learned parameters (shapes/inits match the keras layer)
    global_gamma = jnp.full((1,), 0.5, dtype=jnp.float32)
    global_beta = jnp.zeros((1,), dtype=jnp.float32)
    domain_gammas = jnp.full((D,), 0.5, dtype=jnp.float32)   # one scalar gamma per domain
    domain_betas = jnp.zeros((D,), dtype=jnp.float32)        # one scalar beta per domain
    # Per-domain BatchNorm moving statistics (center=False, scale=False ->
    # only moving_mean/moving_var buffers; keras inits mean=0, var=1).
    moving_means = jnp.zeros((D, F), dtype=jnp.float32)
    moving_vars = jnp.ones((D, F), dtype=jnp.float32)
    return {
        "features": features,
        "domain_types_idx": domain_types_idx,
        "global_gamma": global_gamma,
        "global_beta": global_beta,
        "domain_gammas": domain_gammas,
        "domain_betas": domain_betas,
        "moving_means": moving_means,
        "moving_vars": moving_vars,
    }


def reference(features, domain_types_idx, global_gamma, global_beta,
              domain_gammas, domain_betas, moving_means, moving_vars):
    # Faithful translation of PartitionedNormalization.call with training=None
    # (keras BN defaults to inference mode -> uses moving statistics).
    # For each domain d:
    #   mask = (domain_types == d)
    #   normed = (x - moving_mean_d) / sqrt(moving_var_d + eps)   (center/scale disabled)
    #   out_d = global_gamma * domain_gamma_d * normed + global_beta + domain_beta_d
    #   scatter out_d back to the masked rows (tf.scatter_nd), accumulate.
    # Since inference-mode BN is elementwise, boolean_mask + scatter_nd is
    # equivalent to masking the transformed full batch.
    ids = domain_types_idx.reshape(-1)
    out = jnp.zeros_like(features)
    for d in range(D):
        mask = (ids == d)
        normed = (features - moving_means[d]) * jax.lax.rsqrt(moving_vars[d] + EPS)
        transformed = global_gamma * domain_gammas[d] * normed + global_beta + domain_betas[d]
        out = out + jnp.where(mask[:, None], transformed, jnp.zeros_like(transformed))
    return out

if __name__ == "__main__":
    import jax
    _d = setup_inputs()
    print(jax.jit(kernel)(*tuple(_d.values())))

</pallas_src>

<mosaic_0001>
#map = affine_map<(d0, d1) -> (0, 0)>
#map1 = affine_map<(d0, d1) -> (0)>
module attributes {stable_mosaic.version = 14 : i64} {
  func.func @_sc_apply(%arg0: i32, %arg1: i32, %arg2: memref<4096x1024xf32, #tpu.memory_space<hbm>>, %arg3: memref<4096xi32, #tpu.memory_space<hbm>>, %arg4: memref<4096xi32, #tpu.memory_space<hbm>>, %arg5: memref<4096x1024xf32, #tpu.memory_space<hbm>>, %arg6: memref<128xi32, #tpu.memory_space<vmem>>, %arg7: memref<4096xi32, #tpu.memory_space<vmem>>, %arg8: memref<2x16x1024xf32, #tpu.memory_space<vmem>>, %arg9: memref<2x16x1024xf32, #tpu.memory_space<vmem>>, %arg10: memref<128xi32, #tpu.memory_space<smem>>, %arg11: memref<2x!tpu.dma_semaphore, #tpu.memory_space<semaphore_mem>>, %arg12: memref<2x!tpu.dma_semaphore, #tpu.memory_space<semaphore_mem>>) attributes {dimension_semantics = [#tpu.dimension_semantics<core_parallel>, #tpu.dimension_semantics<subcore_parallel>], iteration_bounds = array<i64: 2, 16>, scalar_prefetch = 0 : i64, scratch_operands = 7 : i64, tpu.core_type = #tpu.core_type<sc_vector_subcore>, window_params = [{transform_indices = #map}, {transform_indices = #map1}, {transform_indices = #map1}, {transform_indices = #map}]} {
    %mul3A = arith.constant 2 : i32
    %mul3A_0 = arith.muli %arg1, %mul3A : i32
    %add3A = arith.addi %mul3A_0, %arg0 : i32
    %mul3A_1 = arith.constant 128 : i32
    %mul3A_2 = arith.muli %add3A, %mul3A_1 : i32
    %add3A_3 = arith.constant 0 : i32
    %add3A_4 = arith.addi %mul3A_2, %add3A_3 : i32
    %dma_start3A = arith.constant 0 : i32
    %dma_start3A_5 = arith.constant 0 : i32
    %dma_start3A_6 = arith.constant 0 : i32
    %dma_start3A_7 = arith.constant 0 : i32
    %dma_start3A_8 = tpu.memref_slice %arg8[%dma_start3A, %dma_start3A_6, %dma_start3A_7] : memref<2x16x1024xf32, #tpu.memory_space<vmem>> -> memref<1x16x1024xf32, #tpu.memory_space<vmem>>
    %dma_start3A_9 = tpu.memref_squeeze %dma_start3A_8 : memref<1x16x1024xf32, #tpu.memory_space<vmem>> -> memref<16x1024xf32, #tpu.memory_space<vmem>>
    %dma_start3A_10 = arith.constant 0 : i32
    %dma_start3A_11 = tpu.memref_slice %arg2[%add3A_4, %dma_start3A_10] : memref<4096x1024xf32, #tpu.memory_space<hbm>> -> memref<16x1024xf32, #tpu.memory_space<hbm>>
    %dma_start3A_12 = tpu.memref_slice %arg11[%dma_start3A_5] : memref<2x!tpu.dma_semaphore, #tpu.memory_space<semaphore_mem>> -> memref<1x!tpu.dma_semaphore, #tpu.memory_space<semaphore_mem>>
    %dma_start3A_13 = tpu.memref_squeeze %dma_start3A_12 : memref<1x!tpu.dma_semaphore, #tpu.memory_space<semaphore_mem>> -> memref<!tpu.dma_semaphore, #tpu.memory_space<semaphore_mem>>
    %dma_start3A_14 = arith.constant 0 : i32
    %dma_start3A_15 = arith.constant 0 : i32
    %dma_start3A_16 = tpu.memref_slice %arg8[%dma_start3A, %dma_start3A_14, %dma_start3A_15] : memref<2x16x1024xf32, #tpu.memory_space<vmem>> -> memref<1x16x1024xf32, #tpu.memory_space<vmem>>
    %dma_start3A_17 = tpu.memref_squeeze %dma_start3A_16 : memref<1x16x1024xf32, #tpu.memory_space<vmem>> -> memref<16x1024xf32, #tpu.memory_space<vmem>>
    %dma_start3A_18 = arith.constant 0 : i32
    %dma_start3A_19 = tpu.memref_slice %arg2[%add3A_4, %dma_start3A_18] : memref<4096x1024xf32, #tpu.memory_space<hbm>> -> memref<16x1024xf32, #tpu.memory_space<hbm>>
    tpu.enqueue_dma source(%dma_start3A_19 : memref<16x1024xf32, #tpu.memory_space<hbm>>) target(%dma_start3A_17 : memref<16x1024xf32, #tpu.memory_space<vmem>>) target_semaphore(%dma_start3A_13 : memref<!tpu.dma_semaphore, #tpu.memory_space<semaphore_mem>>)
    %add3A_20 = arith.constant 16 : i32
    %add3A_21 = arith.addi %mul3A_2, %add3A_20 : i32
    %dma_start3A_22 = arith.constant 1 : i32
    %dma_start3A_23 = arith.constant 1 : i32
    %dma_start3A_24 = arith.constant 0 : i32
    %dma_start3A_25 = arith.constant 0 : i32
    %dma_start3A_26 = tpu.memref_slice %arg8[%dma_start3A_22, %dma_start3A_24, %dma_start3A_25] : memref<2x16x1024xf32, #tpu.memory_space<vmem>> -> memref<1x16x1024xf32, #tpu.memory_space<vmem>>
    %dma_start3A_27 = tpu.memref_squeeze %dma_start3A_26 : memref<1x16x1024xf32, #tpu.memory_space<vmem>> -> memref<16x1024xf32, #tpu.memory_space<vmem>>
    %dma_start3A_28 = arith.constant 0 : i32
    %dma_start3A_29 = tpu.memref_slice %arg2[%add3A_21, %dma_start3A_28] : memref<4096x1024xf32, #tpu.memory_space<hbm>> -> memref<16x1024xf32, #tpu.memory_space<hbm>>
    %dma_start3A_30 = tpu.memref_slice %arg11[%dma_start3A_23] : memref<2x!tpu.dma_semaphore, #tpu.memory_space<semaphore_mem>> -> memref<1x!tpu.dma_semaphore, #tpu.memory_space<semaphore_mem>>
    %dma_start3A_31 = tpu.memref_squeeze %dma_start3A_30 : memref<1x!tpu.dma_semaphore, #tpu.memory_space<semaphore_mem>> -> memref<!tpu.dma_semaphore, #tpu.memory_space<semaphore_mem>>
    %dma_start3A_32 = arith.constant 0 : i32
    %dma_start3A_33 = arith.constant 0 : i32
    %dma_start3A_34 = tpu.memref_slice %arg8[%dma_start3A_22, %dma_start3A_32, %dma_start3A_33] : memref<2x16x1024xf32, #tpu.memory_space<vmem>> -> memref<1x16x1024xf32, #tpu.memory_space<vmem>>
    %dma_start3A_35 = tpu.memref_squeeze %dma_start3A_34 : memref<1x16x1024xf32, #tpu.memory_space<vmem>> -> memref<16x1024xf32, #tpu.memory_space<vmem>>
    %dma_start3A_36 = arith.constant 0 : i32
    %dma_start3A_37 = tpu.memref_slice %arg2[%add3A_21, %dma_start3A_36] : memref<4096x1024xf32, #tpu.memory_space<hbm>> -> memref<16x1024xf32, #tpu.memory_space<hbm>>
    tpu.enqueue_dma source(%dma_start3A_37 : memref<16x1024xf32, #tpu.memory_space<hbm>>) target(%dma_start3A_35 : memref<16x1024xf32, #tpu.memory_space<vmem>>) target_semaphore(%dma_start3A_31 : memref<!tpu.dma_semaphore, #tpu.memory_space<semaphore_mem>>)
    "tpu.region"() ({
      %run_scoped3A = tpu.sem_alloc : memref<!tpu.dma_semaphore, #tpu.memory_space<semaphore_mem>>
      %dma_start3A_762 = tpu.memref_slice %arg3[%mul3A_2] : memref<4096xi32, #tpu.memory_space<hbm>> -> memref<128xi32, #tpu.memory_space<hbm>>
      %dma_start3A_763 = tpu.memref_slice %arg3[%mul3A_2] : memref<4096xi32, #tpu.memory_space<hbm>> -> memref<128xi32, #tpu.memory_space<hbm>>
      tpu.enqueue_dma source(%dma_start3A_763 : memref<128xi32, #tpu.memory_space<hbm>>) target(%arg6 : memref<128xi32, #tpu.memory_space<vmem>>) target_semaphore(%run_scoped3A : memref<!tpu.dma_semaphore, #tpu.memory_space<semaphore_mem>>)
      %dma_wait3A_764 = tpu.memref_slice %arg3[%mul3A_2] : memref<4096xi32, #tpu.memory_space<hbm>> -> memref<128xi32, #tpu.memory_space<hbm>>
      %dma_wait3A_765 = tpu.memref_slice %arg3[%mul3A_2] : memref<4096xi32, #tpu.memory_space<hbm>> -> memref<128xi32, #tpu.memory_space<hbm>>
      tpu.wait_dma2 semaphore(%run_scoped3A : memref<!tpu.dma_semaphore, #tpu.memory_space<semaphore_mem>>) src(%dma_wait3A_765 : memref<128xi32, #tpu.memory_space<hbm>>) dst(%arg6 : memref<128xi32, #tpu.memory_space<vmem>>)
      tpu.yield
    }) : () -> ()
    "tpu.region"() ({
      %run_scoped3A = tpu.sem_alloc : memref<!tpu.dma_semaphore, #tpu.memory_space<semaphore_mem>>
      tpu.enqueue_dma source(%arg4 : memref<4096xi32, #tpu.memory_space<hbm>>) target(%arg7 : memref<4096xi32, #tpu.memory_space<vmem>>) target_semaphore(%run_scoped3A : memref<!tpu.dma_semaphore, #tpu.memory_space<semaphore_mem>>)
      tpu.wait_dma2 semaphore(%run_scoped3A : memref<!tpu.dma_semaphore, #tpu.memory_space<semaphore_mem>>) src(%arg4 : memref<4096xi32, #tpu.memory_space<hbm>>) dst(%arg7 : memref<4096xi32, #tpu.memory_space<vmem>>)
      tpu.yield
    }) : () -> ()
    %get3A = arith.constant 0 : index
    %get3A_38 = tpu.vector_load %arg6[%get3A] {strides = array<i32>} : memref<128xi32, #tpu.memory_space<vmem>>, vector<16xi32>,
    %get3A_39 = vector.shape_cast %get3A_38 : vector<16xi32> to vector<16xi32>
    %mul3A_40 = arith.constant 1024 : i32
    %mul3A_41 = vector.broadcast %mul3A_40 : i32 to vector<16xi32>
    %mul3A_42 = arith.muli %get3A_39, %mul3A_41 : vector<16xi32>
    %slice3A = vector.extract_strided_slice %mul3A_42 {offsets = [0], sizes = [1], strides = [1]} : vector<16xi32> to vector<1xi32>
    %squeeze3A = vector.extract %slice3A[0] : i32 from vector<1xi32>
    %swap3A = arith.constant 0 : i32
    %swap3A_43 = arith.index_cast %swap3A : i32 to index
    %swap3A_44 = memref.load %arg10[%swap3A_43] : memref<128xi32, #tpu.memory_space<smem>>
    memref.store %squeeze3A, %arg10[%swap3A_43] : memref<128xi32, #tpu.memory_space<smem>>
    %slice3A_45 = vector.extract_strided_slice %mul3A_42 {offsets = [1], sizes = [1], strides = [1]} : vector<16xi32> to vector<1xi32>
    %squeeze3A_46 = vector.extract %slice3A_45[0] : i32 from vector<1xi32>
    %swap3A_47 = arith.constant 1 : i32
    %swap3A_48 = arith.index_cast %swap3A_47 : i32 to index
    %swap3A_49 = memref.load %arg10[%swap3A_48] : memref<128xi32, #tpu.memory_space<smem>>
    memref.store %squeeze3A_46, %arg10[%swap3A_48] : memref<128xi32, #tpu.memory_space<smem>>
    %slice3A_50 = vector.extract_strided_slice %mul3A_42 {offsets = [2], sizes = [1], strides = [1]} : vector<16xi32> to vector<1xi32>
    %squeeze3A_51 = vector.extract %slice3A_50[0] : i32 from vector<1xi32>
    %swap3A_52 = arith.constant 2 : i32
    %swap3A_53 = arith.index_cast %swap3A_52 : i32 to index
    %swap3A_54 = memref.load %arg10[%swap3A_53] : memref<128xi32, #tpu.memory_space<smem>>
    memref.store %squeeze3A_51, %arg10[%swap3A_53] : memref<128xi32, #tpu.memory_space<smem>>
    %slice3A_55 = vector.extract_strided_slice %mul3A_42 {offsets = [3], sizes = [1], strides = [1]} : vector<16xi32> to vector<1xi32>
    %squeeze3A_56 = vector.extract %slice3A_55[0] : i32 from vector<1xi32>
    %swap3A_57 = arith.constant 3 : i32
    %swap3A_58 = arith.index_cast %swap3A_57 : i32 to index
    %swap3A_59 = memref.load %arg10[%swap3A_58] : memref<128xi32, #tpu.memory_space<smem>>
    memref.store %squeeze3A_56, %arg10[%swap3A_58] : memref<128xi32, #tpu.memory_space<smem>>
    %slice3A_60 = vector.extract_strided_slice %mul3A_42 {offsets = [4], sizes = [1], strides = [1]} : vector<16xi32> to vector<1xi32>
    %squeeze3A_61 = vector.extract %slice3A_60[0] : i32 from vector<1xi32>
    %swap3A_62 = arith.constant 4 : i32
    %swap3A_63 = arith.index_cast %swap3A_62 : i32 to index
    %swap3A_64 = memref.load %arg10[%swap3A_63] : memref<128xi32, #tpu.memory_space<smem>>
    memref.store %squeeze3A_61, %arg10[%swap3A_63] : memref<128xi32, #tpu.memory_space<smem>>
    %slice3A_65 = vector.extract_strided_slice %mul3A_42 {offsets = [5], sizes = [1], strides = [1]} : vector<16xi32> to vector<1xi32>
    %squeeze3A_66 = vector.extract %slice3A_65[0] : i32 from vector<1xi32>
    %swap3A_67 = arith.constant 5 : i32
    %swap3A_68 = arith.index_cast %swap3A_67 : i32 to index
    %swap3A_69 = memref.load %arg10[%swap3A_68] : memref<128xi32, #tpu.memory_space<smem>>
    memref.store %squeeze3A_66, %arg10[%swap3A_68] : memref<128xi32, #tpu.memory_space<smem>>
    %slice3A_70 = vector.extract_strided_slice %mul3A_42 {offsets = [6], sizes = [1], strides = [1]} : vector<16xi32> to vector<1xi32>
    %squeeze3A_71 = vector.extract %slice3A_70[0] : i32 from vector<1xi32>
    %swap3A_72 = arith.constant 6 : i32
    %swap3A_73 = arith.index_cast %swap3A_72 : i32 to index
    %swap3A_74 = memref.load %arg10[%swap3A_73] : memref<128xi32, #tpu.memory_space<smem>>
    memref.store %squeeze3A_71, %arg10[%swap3A_73] : memref<128xi32, #tpu.memory_space<smem>>
    %slice3A_75 = vector.extract_strided_slice %mul3A_42 {offsets = [7], sizes = [1], strides = [1]} : vector<16xi32> to vector<1xi32>
    %squeeze3A_76 = vector.extract %slice3A_75[0] : i32 from vector<1xi32>
    %swap3A_77 = arith.constant 7 : i32
    %swap3A_78 = arith.index_cast %swap3A_77 : i32 to index
    %swap3A_79 = memref.load %arg10[%swap3A_78] : memref<128xi32, #tpu.memory_space<smem>>
    memref.store %squeeze3A_76, %arg10[%swap3A_78] : memref<128xi32, #tpu.memory_space<smem>>
    %slice3A_80 = vector.extract_strided_slice %mul3A_42 {offsets = [8], sizes = [1], strides = [1]} : vector<16xi32> to vector<1xi32>
    %squeeze3A_81 = vector.extract %slice3A_80[0] : i32 from vector<1xi32>
    %swap3A_82 = arith.constant 8 : i32
    %swap3A_83 = arith.index_cast %swap3A_82 : i32 to index
    %swap3A_84 = memref.load %arg10[%swap3A_83] : memref<128xi32, #tpu.memory_space<smem>>
    memref.store %squeeze3A_81, %arg10[%swap3A_83] : memref<128xi32, #tpu.memory_space<smem>>
    %slice3A_85 = vector.extract_strided_slice %mul3A_42 {offsets = [9], sizes = [1], strides = [1]} : vector<16xi32> to vector<1xi32>
    %squeeze3A_86 = vector.extract %slice3A_85[0] : i32 from vector<1xi32>
    %swap3A_87 = arith.constant 9 : i32
    %swap3A_88 = arith.index_cast %swap3A_87 : i32 to index
    %swap3A_89 = memref.load %arg10[%swap3A_88] : memref<128xi32, #tpu.memory_space<smem>>
    memref.store %squeeze3A_86, %arg10[%swap3A_88] : memref<128xi32, #tpu.memory_space<smem>>
    %slice3A_90 = vector.extract_strided_slice %mul3A_42 {offsets = [10], sizes = [1], strides = [1]} : vector<16xi32> to vector<1xi32>
    %squeeze3A_91 = vector.extract %slice3A_90[0] : i32 from vector<1xi32>
    %swap3A_92 = arith.constant 10 : i32
    %swap3A_93 = arith.index_cast %swap3A_92 : i32 to index
    %swap3A_94 = memref.load %arg10[%swap3A_93] : memref<128xi32, #tpu.memory_space<smem>>
    memref.store %squeeze3A_91, %arg10[%swap3A_93] : memref<128xi32, #tpu.memory_space<smem>>
    %slice3A_95 = vector.extract_strided_slice %mul3A_42 {offsets = [11], sizes = [1], strides = [1]} : vector<16xi32> to vector<1xi32>
    %squeeze3A_96 = vector.extract %slice3A_95[0] : i32 from vector<1xi32>
    %swap3A_97 = arith.constant 11 : i32
    %swap3A_98 = arith.index_cast %swap3A_97 : i32 to index
    %swap3A_99 = memref.load %arg10[%swap3A_98] : memref<128xi32, #tpu.memory_space<smem>>
    memref.store %squeeze3A_96, %arg10[%swap3A_98] : memref<128xi32, #tpu.memory_space<smem>>
    %slice3A_100 = vector.extract_strided_slice %mul3A_42 {offsets = [12], sizes = [1], strides = [1]} : vector<16xi32> to vector<1xi32>
    %squeeze3A_101 = vector.extract %slice3A_100[0] : i32 from vector<1xi32>
    %swap3A_102 = arith.constant 12 : i32
    %swap3A_103 = arith.index_cast %swap3A_102 : i32 to index
    %swap3A_104 = memref.load %arg10[%swap3A_103] : memref<128xi32, #tpu.memory_space<smem>>
    memref.store %squeeze3A_101, %arg10[%swap3A_103] : memref<128xi32, #tpu.memory_space<smem>>
    %slice3A_105 = vector.extract_strided_slice %mul3A_42 {offsets = [13], sizes = [1], strides = [1]} : vector<16xi32> to vector<1xi32>
    %squeeze3A_106 = vector.extract %slice3A_105[0] : i32 from vector<1xi32>
    %swap3A_107 = arith.constant 13 : i32
    %swap3A_108 = arith.index_cast %swap3A_107 : i32 to index
    %swap3A_109 = memref.load %arg10[%swap3A_108] : memref<128xi32, #tpu.memory_space<smem>>
    memref.store %squeeze3A_106, %arg10[%swap3A_108] : memref<128xi32, #tpu.memory_space<smem>>
    %slice3A_110 = vector.extract_strided_slice %mul3A_42 {offsets = [14], sizes = [1], strides = [1]} : vector<16xi32> to vector<1xi32>
    %squeeze3A_111 = vector.extract %slice3A_110[0] : i32 from vector<1xi32>
    %swap3A_112 = arith.constant 14 : i32
    %swap3A_113 = arith.index_cast %swap3A_112 : i32 to index
    %swap3A_114 = memref.load %arg10[%swap3A_113] : memref<128xi32, #tpu.memory_space<smem>>
    memref.store %squeeze3A_111, %arg10[%swap3A_113] : memref<128xi32, #tpu.memory_space<smem>>
    %slice3A_115 = vector.extract_strided_slice %mul3A_42 {offsets = [15], sizes = [1], strides = [1]} : vector<16xi32> to vector<1xi32>
    %squeeze3A_116 = vector.extract %slice3A_115[0] : i32 from vector<1xi32>
    %swap3A_117 = arith.constant 15 : i32
    %swap3A_118 = arith.index_cast %swap3A_117 : i32 to index
    %swap3A_119 = memref.load %arg10[%swap3A_118] : memref<128xi32, #tpu.memory_space<smem>>
    memref.store %squeeze3A_116, %arg10[%swap3A_118] : memref<128xi32, #tpu.memory_space<smem>>
    %get3A_120 = arith.constant 16 : index
    %get3A_121 = tpu.vector_load %arg6[%get3A_120] {strides = array<i32>} : memref<128xi32, #tpu.memory_space<vmem>>, vector<16xi32>,
    %get3A_122 = vector.shape_cast %get3A_121 : vector<16xi32> to vector<16xi32>
    %mul3A_123 = arith.constant 1024 : i32
    %mul3A_124 = vector.broadcast %mul3A_123 : i32 to vector<16xi32>
    %mul3A_125 = arith.muli %get3A_122, %mul3A_124 : vector<16xi32>
    %slice3A_126 = vector.extract_strided_slice %mul3A_125 {offsets = [0], sizes = [1], strides = [1]} : vector<16xi32> to vector<1xi32>
    %squeeze3A_127 = vector.extract %slice3A_126[0] : i32 from vector<1xi32>
    %swap3A_128 = arith.constant 16 : i32
    %swap3A_129 = arith.index_cast %swap3A_128 : i32 to index
    %swap3A_130 = memref.load %arg10[%swap3A_129] : memref<128xi32, #tpu.memory_space<smem>>
    memref.store %squeeze3A_127, %arg10[%swap3A_129] : memref<128xi32, #tpu.memory_space<smem>>
    %slice3A_131 = vector.extract_strided_slice %mul3A_125 {offsets = [1], sizes = [1], strides = [1]} : vector<16xi32> to vector<1xi32>
    %squeeze3A_132 = vector.extract %slice3A_131[0] : i32 from vector<1xi32>
    %swap3A_133 = arith.constant 17 : i32
    %swap3A_134 = arith.index_cast %swap3A_133 : i32 to index
    %swap3A_135 = memref.load %arg10[%swap3A_134] : memref<128xi32, #tpu.memory_space<smem>>
    memref.store %squeeze3A_132, %arg10[%swap3A_134] : memref<128xi32, #tpu.memory_space<smem>>
    %slice3A_136 = vector.extract_strided_slice %mul3A_125 {offsets = [2], sizes = [1], strides = [1]} : vector<16xi32> to vector<1xi32>
    %squeeze3A_137 = vector.extract %slice3A_136[0] : i32 from vector<1xi32>
    %swap3A_138 = arith.constant 18 : i32
    %swap3A_139 = arith.index_cast %swap3A_138 : i32 to index
    %swap3A_140 = memref.load %arg10[%swap3A_139] : memref<128xi32, #tpu.memory_space<smem>>
    memref.store %squeeze3A_137, %arg10[%swap3A_139] : memref<128xi32, #tpu.memory_space<smem>>
    %slice3A_141 = vector.extract_strided_slice %mul3A_125 {offsets = [3], sizes = [1], strides = [1]} : vector<16xi32> to vector<1xi32>
    %squeeze3A_142 = vector.extract %slice3A_141[0] : i32 from vector<1xi32>
    %swap3A_143 = arith.constant 19 : i32
    %swap3A_144 = arith.index_cast %swap3A_143 : i32 to index
    %swap3A_145 = memref.load %arg10[%swap3A_144] : memref<128xi32, #tpu.memory_space<smem>>
    memref.store %squeeze3A_142, %arg10[%swap3A_144] : memref<128xi32, #tpu.memory_space<smem>>
    %slice3A_146 = vector.extract_strided_slice %mul3A_125 {offsets = [4], sizes = [1], strides = [1]} : vector<16xi32> to vector<1xi32>
    %squeeze3A_147 = vector.extract %slice3A_146[0] : i32 from vector<1xi32>
    %swap3A_148 = arith.constant 20 : i32
    %swap3A_149 = arith.index_cast %swap3A_148 : i32 to index
    %swap3A_150 = memref.load %arg10[%swap3A_149] : memref<128xi32, #tpu.memory_space<smem>>
    memref.store %squeeze3A_147, %arg10[%swap3A_149] : memref<128xi32, #tpu.memory_space<smem>>
    %slice3A_151 = vector.extract_strided_slice %mul3A_125 {offsets = [5], sizes = [1], strides = [1]} : vector<16xi32> to vector<1xi32>
    %squeeze3A_152 = vector.extract %slice3A_151[0] : i32 from vector<1xi32>
    %swap3A_153 = arith.constant 21 : i32
    %swap3A_154 = arith.index_cast %swap3A_153 : i32 to index
    %swap3A_155 = memref.load %arg10[%swap3A_154] : memref<128xi32, #tpu.memory_space<smem>>
    memref.store %squeeze3A_152, %arg10[%swap3A_154] : memref<128xi32, #tpu.memory_space<smem>>
    %slice3A_156 = vector.extract_strided_slice %mul3A_125 {offsets = [6], sizes = [1], strides = [1]} : vector<16xi32> to vector<1xi32>
    %squeeze3A_157 = vector.extract %slice3A_156[0] : i32 from vector<1xi32>
    %swap3A_158 = arith.constant 22 : i32
    %swap3A_159 = arith.index_cast %swap3A_158 : i32 to index
    %swap3A_160 = memref.load %arg10[%swap3A_159] : memref<128xi32, #tpu.memory_space<smem>>
    memref.store %squeeze3A_157, %arg10[%swap3A_159] : memref<128xi32, #tpu.memory_space<smem>>
    %slice3A_161 = vector.extract_strided_slice %mul3A_125 {offsets = [7], sizes = [1], strides = [1]} : vector<16xi32> to vector<1xi32>
    %squeeze3A_162 = vector.extract %slice3A_161[0] : i32 from vector<1xi32>
    %swap3A_163 = arith.constant 23 : i32
    %swap3A_164 = arith.index_cast %swap3A_163 : i32 to index
    %swap3A_165 = memref.load %arg10[%swap3A_164] : memref<128xi32, #tpu.memory_space<smem>>
    memref.store %squeeze3A_162, %arg10[%swap3A_164] : memref<128xi32, #tpu.memory_space<smem>>
    %slice3A_166 = vector.extract_strided_slice %mul3A_125 {offsets = [8], sizes = [1], strides = [1]} : vector<16xi32> to vector<1xi32>
    %squeeze3A_167 = vector.extract %slice3A_166[0] : i32 from vector<1xi32>
    %swap3A_168 = arith.constant 24 : i32
    %swap3A_169 = arith.index_cast %swap3A_168 : i32 to index
    %swap3A_170 = memref.load %arg10[%swap3A_169] : memref<128xi32, #tpu.memory_space<smem>>
    memref.store %squeeze3A_167, %arg10[%swap3A_169] : memref<128xi32, #tpu.memory_space<smem>>
    %slice3A_171 = vector.extract_strided_slice %mul3A_125 {offsets = [9], sizes = [1], strides = [1]} : vector<16xi32> to vector<1xi32>
    %squeeze3A_172 = vector.extract %slice3A_171[0] : i32 from vector<1xi32>
    %swap3A_173 = arith.constant 25 : i32
    %swap3A_174 = arith.index_cast %swap3A_173 : i32 to index
    %swap3A_175 = memref.load %arg10[%swap3A_174] : memref<128xi32, #tpu.memory_space<smem>>
    memref.store %squeeze3A_172, %arg10[%swap3A_174] : memref<128xi32, #tpu.memory_space<smem>>
    %slice3A_176 = vector.extract_strided_slice %mul3A_125 {offsets = [10], sizes = [1], strides = [1]} : vector<16xi32> to vector<1xi32>
    %squeeze3A_177 = vector.extract %slice3A_176[0] : i32 from vector<1xi32>
    %swap3A_178 = arith.constant 26 : i32
    %swap3A_179 = arith.index_cast %swap3A_178 : i32 to index
    %swap3A_180 = memref.load %arg10[%swap3A_179] : memref<128xi32, #tpu.memory_space<smem>>
    memref.store %squeeze3A_177, %arg10[%swap3A_179] : memref<128xi32, #tpu.memory_space<smem>>
    %slice3A_181 = vector.extract_strided_slice %mul3A_125 {offsets = [11], sizes = [1], strides = [1]} : vector<16xi32> to vector<1xi32>
    %squeeze3A_182 = vector.extract %slice3A_181[0] : i32 from vector<1xi32>
    %swap3A_183 = arith.constant 27 : i32
    %swap3A_184 = arith.index_cast %swap3A_183 : i32 to index
    %swap3A_185 = memref.load %arg10[%swap3A_184] : memref<128xi32, #tpu.memory_space<smem>>
    memref.store %squeeze3A_182, %arg10[%swap3A_184] : memref<128xi32, #tpu.memory_space<smem>>
    %slice3A_186 = vector.extract_strided_slice %mul3A_125 {offsets = [12], sizes = [1], strides = [1]} : vector<16xi32> to vector<1xi32>
    %squeeze3A_187 = vector.extract %slice3A_186[0] : i32 from vector<1xi32>
    %swap3A_188 = arith.constant 28 : i32
    %swap3A_189 = arith.index_cast %swap3A_188 : i32 to index
    %swap3A_190 = memref.load %arg10[%swap3A_189] : memref<128xi32, #tpu.memory_space<smem>>
    memref.store %squeeze3A_187, %arg10[%swap3A_189] : memref<128xi32, #tpu.memory_space<smem>>
    %slice3A_191 = vector.extract_strided_slice %mul3A_125 {offsets = [13], sizes = [1], strides = [1]} : vector<16xi32> to vector<1xi32>
    %squeeze3A_192 = vector.extract %slice3A_191[0] : i32 from vector<1xi32>
    %swap3A_193 = arith.constant 29 : i32
    %swap3A_194 = arith.index_cast %swap3A_193 : i32 to index
    %swap3A_195 = memref.load %arg10[%swap3A_194] : memref<128xi32, #tpu.memory_space<smem>>
    memref.store %squeeze3A_192, %arg10[%swap3A_194] : memref<128xi32, #tpu.memory_space<smem>>
    %slice3A_196 = vector.extract_strided_slice %mul3A_125 {offsets = [14], sizes = [1], strides = [1]} : vector<16xi32> to vector<1xi32>
    %squeeze3A_197 = vector.extract %slice3A_196[0] : i32 from vector<1xi32>
    %swap3A_198 = arith.constant 30 : i32
    %swap3A_199 = arith.index_cast %swap3A_198 : i32 to index
    %swap3A_200 = memref.load %arg10[%swap3A_199] : memref<128xi32, #tpu.memory_space<smem>>
    memref.store %squeeze3A_197, %arg10[%swap3A_199] : memref<128xi32, #tpu.memory_space<smem>>
    %slice3A_201 = vector.extract_strided_slice %mul3A_125 {offsets = [15], sizes = [1], strides = [1]} : vector<16xi32> to vector<1xi32>
    %squeeze3A_202 = vector.extract %slice3A_201[0] : i32 from vector<1xi32>
    %swap3A_203 = arith.constant 31 : i32
    %swap3A_204 = arith.index_cast %swap3A_203 : i32 to index
    %swap3A_205 = memref.load %arg10[%swap3A_204] : memref<128xi32, #tpu.memory_space<smem>>
    memref.store %squeeze3A_202, %arg10[%swap3A_204] : memref<128xi32, #tpu.memory_space<smem>>
    %get3A_206 = arith.constant 32 : index
    %get3A_207 = tpu.vector_load %arg6[%get3A_206] {strides = array<i32>} : memref<128xi32, #tpu.memory_space<vmem>>, vector<16xi32>,
    %get3A_208 = vector.shape_cast %get3A_207 : vector<16xi32> to vector<16xi32>
    %mul3A_209 = arith.constant 1024 : i32
    %mul3A_210 = vector.broadcast %mul3A_209 : i32 to vector<16xi32>
    %mul3A_211 = arith.muli %get3A_208, %mul3A_210 : vector<16xi32>
    %slice3A_212 = vector.extract_strided_slice %mul3A_211 {offsets = [0], sizes = [1], strides = [1]} : vector<16xi32> to vector<1xi32>
    %squeeze3A_213 = vector.extract %slice3A_212[0] : i32 from vector<1xi32>
    %swap3A_214 = arith.constant 32 : i32
    %swap3A_215 = arith.index_cast %swap3A_214 : i32 to index
    %swap3A_216 = memref.load %arg10[%swap3A_215] : memref<128xi32, #tpu.memory_space<smem>>
    memref.store %squeeze3A_213, %arg10[%swap3A_215] : memref<128xi32, #tpu.memory_space<smem>>
    %slice3A_217 = vector.extract_strided_slice %mul3A_211 {offsets = [1], sizes = [1], strides = [1]} : vector<16xi32> to vector<1xi32>
    %squeeze3A_218 = vector.extract %slice3A_217[0] : i32 from vector<1xi32>
    %swap3A_219 = arith.constant 33 : i32
    %swap3A_220 = arith.index_cast %swap3A_219 : i32 to index
    %swap3A_221 = memref.load %arg10[%swap3A_220] : memref<128xi32, #tpu.memory_space<smem>>
    memref.store %squeeze3A_218, %arg10[%swap3A_220] : memref<128xi32, #tpu.memory_space<smem>>
    %slice3A_222 = vector.extract_strided_slice %mul3A_211 {offsets = [2], sizes = [1], strides = [1]} : vector<16xi32> to vector<1xi32>
    %squeeze3A_223 = vector.extract %slice3A_222[0] : i32 from vector<1xi32>
    %swap3A_224 = arith.constant 34 : i32
    %swap3A_225 = arith.index_cast %swap3A_224 : i32 to index
    %swap3A_226 = memref.load %arg10[%swap3A_225] : memref<128xi32, #tpu.memory_space<smem>>
    memref.store %squeeze3A_223, %arg10[%swap3A_225] : memref<128xi32, #tpu.memory_space<smem>>
    %slice3A_227 = vector.extract_strided_slice %mul3A_211 {offsets = [3], sizes = [1], strides = [1]} : vector<16xi32> to vector<1xi32>
    %squeeze3A_228 = vector.extract %slice3A_227[0] : i32 from vector<1xi32>
    %swap3A_229 = arith.constant 35 : i32
    %swap3A_230 = arith.index_cast %swap3A_229 : i32 to index
    %swap3A_231 = memref.load %arg10[%swap3A_230] : memref<128xi32, #tpu.memory_space<smem>>
    memref.store %squeeze3A_228, %arg10[%swap3A_230] : memref<128xi32, #tpu.memory_space<smem>>
    %slice3A_232 = vector.extract_strided_slice %mul3A_211 {offsets = [4], sizes = [1], strides = [1]} : vector<16xi32> to vector<1xi32>
    %squeeze3A_233 = vector.extract %slice3A_232[0] : i32 from vector<1xi32>
    %swap3A_234 = arith.constant 36 : i32
    %swap3A_235 = arith.index_cast %swap3A_234 : i32 to index
    %swap3A_236 = memref.load %arg10[%swap3A_235] : memref<128xi32, #tpu.memory_space<smem>>
    memref.store %squeeze3A_233, %arg10[%swap3A_235] : memref<128xi32, #tpu.memory_space<smem>>
    %slice3A_237 = vector.extract_strided_slice %mul3A_211 {offsets = [5], sizes = [1], strides = [1]} : vector<16xi32> to vector<1xi32>
    %squeeze3A_238 = vector.extract %slice3A_237[0] : i32 from vector<1xi32>
    %swap3A_239 = arith.constant 37 : i32
    %swap3A_240 = arith.index_cast %swap3A_239 : i32 to index
    %swap3A_241 = memref.load %arg10[%swap3A_240] : memref<128xi32, #tpu.memory_space<smem>>
    memref.store %squeeze3A_238, %arg10[%swap3A_240] : memref<128xi32, #tpu.memory_space<smem>>
    %slice3A_242 = vector.extract_strided_slice %mul3A_211 {offsets = [6], sizes = [1], strides = [1]} : vector<16xi32> to vector<1xi32>
    %squeeze3A_243 = vector.extract %slice3A_242[0] : i32 from vector<1xi32>
    %swap3A_244 = arith.constant 38 : i32
    %swap3A_245 = arith.index_cast %swap3A_244 : i32 to index
    %swap3A_246 = memref.load %arg10[%swap3A_245] : memref<128xi32, #tpu.memory_space<smem>>
    memref.store %squeeze3A_243, %arg10[%swap3A_245] : memref<128xi32, #tpu.memory_space<smem>>
    %slice3A_247 = vector.extract_strided_slice %mul3A_211 {offsets = [7], sizes = [1], strides = [1]} : vector<16xi32> to vector<1xi32>
    %squeeze3A_248 = vector.extract %slice3A_247[0] : i32 from vector<1xi32>
    %swap3A_249 = arith.constant 39 : i32
    %swap3A_250 = arith.index_cast %swap3A_249 : i32 to index
    %swap3A_251 = memref.load %arg10[%swap3A_250] : memref<128xi32, #tpu.memory_space<smem>>
    memref.store %squeeze3A_248, %arg10[%swap3A_250] : memref<128xi32, #tpu.memory_space<smem>>
    %slice3A_252 = vector.extract_strided_slice %mul3A_211 {offsets = [8], sizes = [1], strides = [1]} : vector<16xi32> to vector<1xi32>
    %squeeze3A_253 = vector.extract %slice3A_252[0] : i32 from vector<1xi32>
    %swap3A_254 = arith.constant 40 : i32
    %swap3A_255 = arith.index_cast %swap3A_254 : i32 to index
    %swap3A_256 = memref.load %arg10[%swap3A_255] : memref<128xi32, #tpu.memory_space<smem>>
    memref.store %squeeze3A_253, %arg10[%swap3A_255] : memref<128xi32, #tpu.memory_space<smem>>
    %slice3A_257 = vector.extract_strided_slice %mul3A_211 {offsets = [9], sizes = [1], strides = [1]} : vector<16xi32> to vector<1xi32>
    %squeeze3A_258 = vector.extract %slice3A_257[0] : i32 from vector<1xi32>
    %swap3A_259 = arith.constant 41 : i32
    %swap3A_260 = arith.index_cast %swap3A_259 : i32 to index
    %swap3A_261 = memref.load %arg10[%swap3A_260] : memref<128xi32, #tpu.memory_space<smem>>
    memref.store %squeeze3A_258, %arg10[%swap3A_260] : memref<128xi32, #tpu.memory_space<smem>>
    %slice3A_262 = vector.extract_strided_slice %mul3A_211 {offsets = [10], sizes = [1], strides = [1]} : vector<16xi32> to vector<1xi32>
    %squeeze3A_263 = vector.extract %slice3A_262[0] : i32 from vector<1xi32>
    %swap3A_264 = arith.constant 42 : i32
    %swap3A_265 = arith.index_cast %swap3A_264 : i32 to index
    %swap3A_266 = memref.load %arg10[%swap3A_265] : memref<128xi32, #tpu.memory_space<smem>>
    memref.store %squeeze3A_263, %arg10[%swap3A_265] : memref<128xi32, #tpu.memory_space<smem>>
    %slice3A_267 = vector.extract_strided_slice %mul3A_211 {offsets = [11], sizes = [1], strides = [1]} : vector<16xi32> to vector<1xi32>
    %squeeze3A_268 = vector.extract %slice3A_267[0] : i32 from vector<1xi32>
    %swap3A_269 = arith.constant 43 : i32
    %swap3A_270 = arith.index_cast %swap3A_269 : i32 to index
    %swap3A_271 = memref.load %arg10[%swap3A_270] : memref<128xi32, #tpu.memory_space<smem>>
    memref.store %squeeze3A_268, %arg10[%swap3A_270] : memref<128xi32, #tpu.memory_space<smem>>
    %slice3A_272 = vector.extract_strided_slice %mul3A_211 {offsets = [12], sizes = [1], strides = [1]} : vector<16xi32> to vector<1xi32>
    %squeeze3A_273 = vector.extract %slice3A_272[0] : i32 from vector<1xi32>
    %swap3A_274 = arith.constant 44 : i32
    %swap3A_275 = arith.index_cast %swap3A_274 : i32 to index
    %swap3A_276 = memref.load %arg10[%swap3A_275] : memref<128xi32, #tpu.memory_space<smem>>
    memref.store %squeeze3A_273, %arg10[%swap3A_275] : memref<128xi32, #tpu.memory_space<smem>>
    %slice3A_277 = vector.extract_strided_slice %mul3A_211 {offsets = [13], sizes = [1], strides = [1]} : vector<16xi32> to vector<1xi32>
    %squeeze3A_278 = vector.extract %slice3A_277[0] : i32 from vector<1xi32>
    %swap3A_279 = arith.constant 45 : i32
    %swap3A_280 = arith.index_cast %swap3A_279 : i32 to index
    %swap3A_281 = memref.load %arg10[%swap3A_280] : memref<128xi32, #tpu.memory_space<smem>>
    memref.store %squeeze3A_278, %arg10[%swap3A_280] : memref<128xi32, #tpu.memory_space<smem>>
    %slice3A_282 = vector.extract_strided_slice %mul3A_211 {offsets = [14], sizes = [1], strides = [1]} : vector<16xi32> to vector<1xi32>
    %squeeze3A_283 = vector.extract %slice3A_282[0] : i32 from vector<1xi32>
    %swap3A_284 = arith.constant 46 : i32
    %swap3A_285 = arith.index_cast %swap3A_284 : i32 to index
    %swap3A_286 = memref.load %arg10[%swap3A_285] : memref<128xi32, #tpu.memory_space<smem>>
    memref.store %squeeze3A_283, %arg10[%swap3A_285] : memref<128xi32, #tpu.memory_space<smem>>
    %slice3A_287 = vector.extract_strided_slice %mul3A_211 {offsets = [15], sizes = [1], strides = [1]} : vector<16xi32> to vector<1xi32>
    %squeeze3A_288 = vector.extract %slice3A_287[0] : i32 from vector<1xi32>
    %swap3A_289 = arith.constant 47 : i32
    %swap3A_290 = arith.index_cast %swap3A_289 : i32 to index
    %swap3A_291 = memref.load %arg10[%swap3A_290] : memref<128xi32, #tpu.memory_space<smem>>
    memref.store %squeeze3A_288, %arg10[%swap3A_290] : memref<128xi32, #tpu.memory_space<smem>>
    %get3A_292 = arith.constant 48 : index
    %get3A_293 = tpu.vector_load %arg6[%get3A_292] {strides = array<i32>} : memref<128xi32, #tpu.memory_space<vmem>>, vector<16xi32>,
    %get3A_294 = vector.shape_cast %get3A_293 : vector<16xi32> to vector<16xi32>
    %mul3A_295 = arith.constant 1024 : i32
    %mul3A_296 = vector.broadcast %mul3A_295 : i32 to vector<16xi32>
    %mul3A_297 = arith.muli %get3A_294, %mul3A_296 : vector<16xi32>
    %slice3A_298 = vector.extract_strided_slice %mul3A_297 {offsets = [0], sizes = [1], strides = [1]} : vector<16xi32> to vector<1xi32>
    %squeeze3A_299 = vector.extract %slice3A_298[0] : i32 from vector<1xi32>
    %swap3A_300 = arith.constant 48 : i32
    %swap3A_301 = arith.index_cast %swap3A_300 : i32 to index
    %swap3A_302 = memref.load %arg10[%swap3A_301] : memref<128xi32, #tpu.memory_space<smem>>
    memref.store %squeeze3A_299, %arg10[%swap3A_301] : memref<128xi32, #tpu.memory_space<smem>>
    %slice3A_303 = vector.extract_strided_slice %mul3A_297 {offsets = [1], sizes = [1], strides = [1]} : vector<16xi32> to vector<1xi32>
    %squeeze3A_304 = vector.extract %slice3A_303[0] : i32 from vector<1xi32>
    %swap3A_305 = arith.constant 49 : i32
    %swap3A_306 = arith.index_cast %swap3A_305 : i32 to index
    %swap3A_307 = memref.load %arg10[%swap3A_306] : memref<128xi32, #tpu.memory_space<smem>>
    memref.store %squeeze3A_304, %arg10[%swap3A_306] : memref<128xi32, #tpu.memory_space<smem>>
    %slice3A_308 = vector.extract_strided_slice %mul3A_297 {offsets = [2], sizes = [1], strides = [1]} : vector<16xi32> to vector<1xi32>
    %squeeze3A_309 = vector.extract %slice3A_308[0] : i32 from vector<1xi32>
    %swap3A_310 = arith.constant 50 : i32
    %swap3A_311 = arith.index_cast %swap3A_310 : i32 to index
    %swap3A_312 = memref.load %arg10[%swap3A_311] : memref<128xi32, #tpu.memory_space<smem>>
    memref.store %squeeze3A_309, %arg10[%swap3A_311] : memref<128xi32, #tpu.memory_space<smem>>
    %slice3A_313 = vector.extract_strided_slice %mul3A_297 {offsets = [3], sizes = [1], strides = [1]} : vector<16xi32> to vector<1xi32>
    %squeeze3A_314 = vector.extract %slice3A_313[0] : i32 from vector<1xi32>
    %swap3A_315 = arith.constant 51 : i32
    %swap3A_316 = arith.index_cast %swap3A_315 : i32 to index
    %swap3A_317 = memref.load %arg10[%swap3A_316] : memref<128xi32, #tpu.memory_space<smem>>
    memref.store %squeeze3A_314, %arg10[%swap3A_316] : memref<128xi32, #tpu.memory_space<smem>>
    %slice3A_318 = vector.extract_strided_slice %mul3A_297 {offsets = [4], sizes = [1], strides = [1]} : vector<16xi32> to vector<1xi32>
    %squeeze3A_319 = vector.extract %slice3A_318[0] : i32 from vector<1xi32>
    %swap3A_320 = arith.constant 52 : i32
    %swap3A_321 = arith.index_cast %swap3A_320 : i32 to index
    %swap3A_322 = memref.load %arg10[%swap3A_321] : memref<128xi32, #tpu.memory_space<smem>>
    memref.store %squeeze3A_319, %arg10[%swap3A_321] : memref<128xi32, #tpu.memory_space<smem>>
    %slice3A_323 = vector.extract_strided_slice %mul3A_297 {offsets = [5], sizes = [1], strides = [1]} : vector<16xi32> to vector<1xi32>
    %squeeze3A_324 = vector.extract %slice3A_323[0] : i32 from vector<1xi32>
    %swap3A_325 = arith.constant 53 : i32
    %swap3A_326 = arith.index_cast %swap3A_325 : i32 to index
    %swap3A_327 = memref.load %arg10[%swap3A_326] : memref<128xi32, #tpu.memory_space<smem>>
    memref.store %squeeze3A_324, %arg10[%swap3A_326] : memref<128xi32, #tpu.memory_space<smem>>
    %slice3A_328 = vector.extract_strided_slice %mul3A_297 {offsets = [6], sizes = [1], strides = [1]} : vector<16xi32> to vector<1xi32>
    %squeeze3A_329 = vector.extract %slice3A_328[0] : i32 from vector<1xi32>
    %swap3A_330 = arith.constant 54 : i32
    %swap3A_331 = arith.index_cast %swap3A_330 : i32 to index
    %swap3A_332 = memref.load %arg10[%swap3A_331] : memref<128xi32, #tpu.memory_space<smem>>
    memref.store %squeeze3A_329, %arg10[%swap3A_331] : memref<128xi32, #tpu.memory_space<smem>>
    %slice3A_333 = vector.extract_strided_slice %mul3A_297 {offsets = [7], sizes = [1], strides = [1]} : vector<16xi32> to vector<1xi32>
    %squeeze3A_334 = vector.extract %slice3A_333[0] : i32 from vector<1xi32>
    %swap3A_335 = arith.constant 55 : i32
    %swap3A_336 = arith.index_cast %swap3A_335 : i32 to index
    %swap3A_337 = memref.load %arg10[%swap3A_336] : memref<128xi32, #tpu.memory_space<smem>>
    memref.store %squeeze3A_334, %arg10[%swap3A_336] : memref<128xi32, #tpu.memory_space<smem>>
    %slice3A_338 = vector.extract_strided_slice %mul3A_297 {offsets = [8], sizes = [1], strides = [1]} : vector<16xi32> to vector<1xi32>
    %squeeze3A_339 = vector.extract %slice3A_338[0] : i32 from vector<1xi32>
    %swap3A_340 = arith.constant 56 : i32
    %swap3A_341 = arith.index_cast %swap3A_340 : i32 to index
    %swap3A_342 = memref.load %arg10[%swap3A_341] : memref<128xi32, #tpu.memory_space<smem>>
    memref.store %squeeze3A_339, %arg10[%swap3A_341] : memref<128xi32, #tpu.memory_space<smem>>
    %slice3A_343 = vector.extract_strided_slice %mul3A_297 {offsets = [9], sizes = [1], strides = [1]} : vector<16xi32> to vector<1xi32>
    %squeeze3A_344 = vector.extract %slice3A_343[0] : i32 from vector<1xi32>
    %swap3A_345 = arith.constant 57 : i32
    %swap3A_346 = arith.index_cast %swap3A_345 : i32 to index
    %swap3A_347 = memref.load %arg10[%swap3A_346] : memref<128xi32, #tpu.memory_space<smem>>
    memref.store %squeeze3A_344, %arg10[%swap3A_346] : memref<128xi32, #tpu.memory_space<smem>>
    %slice3A_348 = vector.extract_strided_slice %mul3A_297 {offsets = [10], sizes = [1], strides = [1]} : vector<16xi32> to vector<1xi32>
    %squeeze3A_349 = vector.extract %slice3A_348[0] : i32 from vector<1xi32>
    %swap3A_350 = arith.constant 58 : i32
    %swap3A_351 = arith.index_cast %swap3A_350 : i32 to index
    %swap3A_352 = memref.load %arg10[%swap3A_351] : memref<128xi32, #tpu.memory_space<smem>>
    memref.store %squeeze3A_349, %arg10[%swap3A_351] : memref<128xi32, #tpu.memory_space<smem>>
    %slice3A_353 = vector.extract_strided_slice %mul3A_297 {offsets = [11], sizes = [1], strides = [1]} : vector<16xi32> to vector<1xi32>
    %squeeze3A_354 = vector.extract %slice3A_353[0] : i32 from vector<1xi32>
    %swap3A_355 = arith.constant 59 : i32
    %swap3A_356 = arith.index_cast %swap3A_355 : i32 to index
    %swap3A_357 = memref.load %arg10[%swap3A_356] : memref<128xi32, #tpu.memory_space<smem>>
    memref.store %squeeze3A_354, %arg10[%swap3A_356] : memref<128xi32, #tpu.memory_space<smem>>
    %slice3A_358 = vector.extract_strided_slice %mul3A_297 {offsets = [12], sizes = [1], strides = [1]} : vector<16xi32> to vector<1xi32>
    %squeeze3A_359 = vector.extract %slice3A_358[0] : i32 from vector<1xi32>
    %swap3A_360 = arith.constant 60 : i32
    %swap3A_361 = arith.index_cast %swap3A_360 : i32 to index
    %swap3A_362 = memref.load %arg10[%swap3A_361] : memref<128xi32, #tpu.memory_space<smem>>
    memref.store %squeeze3A_359, %arg10[%swap3A_361] : memref<128xi32, #tpu.memory_space<smem>>
    %slice3A_363 = vector.extract_strided_slice %mul3A_297 {offsets = [13], sizes = [1], strides = [1]} : vector<16xi32> to vector<1xi32>
    %squeeze3A_364 = vector.extract %slice3A_363[0] : i32 from vector<1xi32>
    %swap3A_365 = arith.constant 61 : i32
    %swap3A_366 = arith.index_cast %swap3A_365 : i32 to index
    %swap3A_367 = memref.load %arg10[%swap3A_366] : memref<128xi32, #tpu.memory_space<smem>>
    memref.store %squeeze3A_364, %arg10[%swap3A_366] : memref<128xi32, #tpu.memory_space<smem>>
    %slice3A_368 = vector.extract_strided_slice %mul3A_297 {offsets = [14], sizes = [1], strides = [1]} : vector<16xi32> to vector<1xi32>
    %squeeze3A_369 = vector.extract %slice3A_368[0] : i32 from vector<1xi32>
    %swap3A_370 = arith.constant 62 : i32
    %swap3A_371 = arith.index_cast %swap3A_370 : i32 to index
    %swap3A_372 = memref.load %arg10[%swap3A_371] : memref<128xi32, #tpu.memory_space<smem>>
    memref.store %squeeze3A_369, %arg10[%swap3A_371] : memref<128xi32, #tpu.memory_space<smem>>
    %slice3A_373 = vector.extract_strided_slice %mul3A_297 {offsets = [15], sizes = [1], strides = [1]} : vector<16xi32> to vector<1xi32>
    %squeeze3A_374 = vector.extract %slice3A_373[0] : i32 from vector<1xi32>
    %swap3A_375 = arith.constant 63 : i32
    %swap3A_376 = arith.index_cast %swap3A_375 : i32 to index
    %swap3A_377 = memref.load %arg10[%swap3A_376] : memref<128xi32, #tpu.memory_space<smem>>
    memref.store %squeeze3A_374, %arg10[%swap3A_376] : memref<128xi32, #tpu.memory_space<smem>>
    %get3A_378 = arith.constant 64 : index
    %get3A_379 = tpu.vector_load %arg6[%get3A_378] {strides = array<i32>} : memref<128xi32, #tpu.memory_space<vmem>>, vector<16xi32>,
    %get3A_380 = vector.shape_cast %get3A_379 : vector<16xi32> to vector<16xi32>
    %mul3A_381 = arith.constant 1024 : i32
    %mul3A_382 = vector.broadcast %mul3A_381 : i32 to vector<16xi32>
    %mul3A_383 = arith.muli %get3A_380, %mul3A_382 : vector<16xi32>
    %slice3A_384 = vector.extract_strided_slice %mul3A_383 {offsets = [0], sizes = [1], strides = [1]} : vector<16xi32> to vector<1xi32>
    %squeeze3A_385 = vector.extract %slice3A_384[0] : i32 from vector<1xi32>
    %swap3A_386 = arith.constant 64 : i32
    %swap3A_387 = arith.index_cast %swap3A_386 : i32 to index
    %swap3A_388 = memref.load %arg10[%swap3A_387] : memref<128xi32, #tpu.memory_space<smem>>
    memref.store %squeeze3A_385, %arg10[%swap3A_387] : memref<128xi32, #tpu.memory_space<smem>>
    %slice3A_389 = vector.extract_strided_slice %mul3A_383 {offsets = [1], sizes = [1], strides = [1]} : vector<16xi32> to vector<1xi32>
    %squeeze3A_390 = vector.extract %slice3A_389[0] : i32 from vector<1xi32>
    %swap3A_391 = arith.constant 65 : i32
    %swap3A_392 = arith.index_cast %swap3A_391 : i32 to index
    %swap3A_393 = memref.load %arg10[%swap3A_392] : memref<128xi32, #tpu.memory_space<smem>>
    memref.store %squeeze3A_390, %arg10[%swap3A_392] : memref<128xi32, #tpu.memory_space<smem>>
    %slice3A_394 = vector.extract_strided_slice %mul3A_383 {offsets = [2], sizes = [1], strides = [1]} : vector<16xi32> to vector<1xi32>
    %squeeze3A_395 = vector.extract %slice3A_394[0] : i32 from vector<1xi32>
    %swap3A_396 = arith.constant 66 : i32
    %swap3A_397 = arith.index_cast %swap3A_396 : i32 to index
    %swap3A_398 = memref.load %arg10[%swap3A_397] : memref<128xi32, #tpu.memory_space<smem>>
    memref.store %squeeze3A_395, %arg10[%swap3A_397] : memref<128xi32, #tpu.memory_space<smem>>
    %slice3A_399 = vector.extract_strided_slice %mul3A_383 {offsets = [3], sizes = [1], strides = [1]} : vector<16xi32> to vector<1xi32>
    %squeeze3A_400 = vector.extract %slice3A_399[0] : i32 from vector<1xi32>
    %swap3A_401 = arith.constant 67 : i32
    %swap3A_402 = arith.index_cast %swap3A_401 : i32 to index
    %swap3A_403 = memref.load %arg10[%swap3A_402] : memref<128xi32, #tpu.memory_space<smem>>
    memref.store %squeeze3A_400, %arg10[%swap3A_402] : memref<128xi32, #tpu.memory_space<smem>>
    %slice3A_404 = vector.extract_strided_slice %mul3A_383 {offsets = [4], sizes = [1], strides = [1]} : vector<16xi32> to vector<1xi32>
    %squeeze3A_405 = vector.extract %slice3A_404[0] : i32 from vector<1xi32>
    %swap3A_406 = arith.constant 68 : i32
    %swap3A_407 = arith.index_cast %swap3A_406 : i32 to index
    %swap3A_408 = memref.load %arg10[%swap3A_407] : memref<128xi32, #tpu.memory_space<smem>>
    memref.store %squeeze3A_405, %arg10[%swap3A_407] : memref<128xi32, #tpu.memory_space<smem>>
    %slice3A_409 = vector.extract_strided_slice %mul3A_383 {offsets = [5], sizes = [1], strides = [1]} : vector<16xi32> to vector<1xi32>
    %squeeze3A_410 = vector.extract %slice3A_409[0] : i32 from vector<1xi32>
    %swap3A_411 = arith.constant 69 : i32
    %swap3A_412 = arith.index_cast %swap3A_411 : i32 to index
    %swap3A_413 = memref.load %arg10[%swap3A_412] : memref<128xi32, #tpu.memory_space<smem>>
    memref.store %squeeze3A_410, %arg10[%swap3A_412] : memref<128xi32, #tpu.memory_space<smem>>
    %slice3A_414 = vector.extract_strided_slice %mul3A_383 {offsets = [6], sizes = [1], strides = [1]} : vector<16xi32> to vector<1xi32>
    %squeeze3A_415 = vector.extract %slice3A_414[0] : i32 from vector<1xi32>
    %swap3A_416 = arith.constant 70 : i32
    %swap3A_417 = arith.index_cast %swap3A_416 : i32 to index
    %swap3A_418 = memref.load %arg10[%swap3A_417] : memref<128xi32, #tpu.memory_space<smem>>
    memref.store %squeeze3A_415, %arg10[%swap3A_417] : memref<128xi32, #tpu.memory_space<smem>>
    %slice3A_419 = vector.extract_strided_slice %mul3A_383 {offsets = [7], sizes = [1], strides = [1]} : vector<16xi32> to vector<1xi32>
    %squeeze3A_420 = vector.extract %slice3A_419[0] : i32 from vector<1xi32>
    %swap3A_421 = arith.constant 71 : i32
    %swap3A_422 = arith.index_cast %swap3A_421 : i32 to index
    %swap3A_423 = memref.load %arg10[%swap3A_422] : memref<128xi32, #tpu.memory_space<smem>>
    memref.store %squeeze3A_420, %arg10[%swap3A_422] : memref<128xi32, #tpu.memory_space<smem>>
    %slice3A_424 = vector.extract_strided_slice %mul3A_383 {offsets = [8], sizes = [1], strides = [1]} : vector<16xi32> to vector<1xi32>
    %squeeze3A_425 = vector.extract %slice3A_424[0] : i32 from vector<1xi32>
    %swap3A_426 = arith.constant 72 : i32
    %swap3A_427 = arith.index_cast %swap3A_426 : i32 to index
    %swap3A_428 = memref.load %arg10[%swap3A_427] : memref<128xi32, #tpu.memory_space<smem>>
    memref.store %squeeze3A_425, %arg10[%swap3A_427] : memref<128xi32, #tpu.memory_space<smem>>
    %slice3A_429 = vector.extract_strided_slice %mul3A_383 {offsets = [9], sizes = [1], strides = [1]} : vector<16xi32> to vector<1xi32>
    %squeeze3A_430 = vector.extract %slice3A_429[0] : i32 from vector<1xi32>
    %swap3A_431 = arith.constant 73 : i32
    %swap3A_432 = arith.index_cast %swap3A_431 : i32 to index
    %swap3A_433 = memref.load %arg10[%swap3A_432] : memref<128xi32, #tpu.memory_space<smem>>
    memref.store %squeeze3A_430, %arg10[%swap3A_432] : memref<128xi32, #tpu.memory_space<smem>>
    %slice3A_434 = vector.extract_strided_slice %mul3A_383 {offsets = [10], sizes = [1], strides = [1]} : vector<16xi32> to vector<1xi32>
    %squeeze3A_435 = vector.extract %slice3A_434[0] : i32 from vector<1xi32>
    %swap3A_436 = arith.constant 74 : i32
    %swap3A_437 = arith.index_cast %swap3A_436 : i32 to index
    %swap3A_438 = memref.load %arg10[%swap3A_437] : memref<128xi32, #tpu.memory_space<smem>>
    memref.store %squeeze3A_435, %arg10[%swap3A_437] : memref<128xi32, #tpu.memory_space<smem>>
    %slice3A_439 = vector.extract_strided_slice %mul3A_383 {offsets = [11], sizes = [1], strides = [1]} : vector<16xi32> to vector<1xi32>
    %squeeze3A_440 = vector.extract %slice3A_439[0] : i32 from vector<1xi32>
    %swap3A_441 = arith.constant 75 : i32
    %swap3A_442 = arith.index_cast %swap3A_441 : i32 to index
    %swap3A_443 = memref.load %arg10[%swap3A_442] : memref<128xi32, #tpu.memory_space<smem>>
    memref.store %squeeze3A_440, %arg10[%swap3A_442] : memref<128xi32, #tpu.memory_space<smem>>
    %slice3A_444 = vector.extract_strided_slice %mul3A_383 {offsets = [12], sizes = [1], strides = [1]} : vector<16xi32> to vector<1xi32>
    %squeeze3A_445 = vector.extract %slice3A_444[0] : i32 from vector<1xi32>
    %swap3A_446 = arith.constant 76 : i32
    %swap3A_447 = arith.index_cast %swap3A_446 : i32 to index
    %swap3A_448 = memref.load %arg10[%swap3A_447] : memref<128xi32, #tpu.memory_space<smem>>
    memref.store %squeeze3A_445, %arg10[%swap3A_447] : memref<128xi32, #tpu.memory_space<smem>>
    %slice3A_449 = vector.extract_strided_slice %mul3A_383 {offsets = [13], sizes = [1], strides = [1]} : vector<16xi32> to vector<1xi32>
    %squeeze3A_450 = vector.extract %slice3A_449[0] : i32 from vector<1xi32>
    %swap3A_451 = arith.constant 77 : i32
    %swap3A_452 = arith.index_cast %swap3A_451 : i32 to index
    %swap3A_453 = memref.load %arg10[%swap3A_452] : memref<128xi32, #tpu.memory_space<smem>>
    memref.store %squeeze3A_450, %arg10[%swap3A_452] : memref<128xi32, #tpu.memory_space<smem>>
    %slice3A_454 = vector.extract_strided_slice %mul3A_383 {offsets = [14], sizes = [1], strides = [1]} : vector<16xi32> to vector<1xi32>
    %squeeze3A_455 = vector.extract %slice3A_454[0] : i32 from vector<1xi32>
    %swap3A_456 = arith.constant 78 : i32
    %swap3A_457 = arith.index_cast %swap3A_456 : i32 to index
    %swap3A_458 = memref.load %arg10[%swap3A_457] : memref<128xi32, #tpu.memory_space<smem>>
    memref.store %squeeze3A_455, %arg10[%swap3A_457] : memref<128xi32, #tpu.memory_space<smem>>
    %slice3A_459 = vector.extract_strided_slice %mul3A_383 {offsets = [15], sizes = [1], strides = [1]} : vector<16xi32> to vector<1xi32>
    %squeeze3A_460 = vector.extract %slice3A_459[0] : i32 from vector<1xi32>
    %swap3A_461 = arith.constant 79 : i32
    %swap3A_462 = arith.index_cast %swap3A_461 : i32 to index
    %swap3A_463 = memref.load %arg10[%swap3A_462] : memref<128xi32, #tpu.memory_space<smem>>
    memref.store %squeeze3A_460, %arg10[%swap3A_462] : memref<128xi32, #tpu.memory_space<smem>>
    %get3A_464 = arith.constant 80 : index
    %get3A_465 = tpu.vector_load %arg6[%get3A_464] {strides = array<i32>} : memref<128xi32, #tpu.memory_space<vmem>>, vector<16xi32>,
    %get3A_466 = vector.shape_cast %get3A_465 : vector<16xi32> to vector<16xi32>
    %mul3A_467 = arith.constant 1024 : i32
    %mul3A_468 = vector.broadcast %mul3A_467 : i32 to vector<16xi32>
    %mul3A_469 = arith.muli %get3A_466, %mul3A_468 : vector<16xi32>
    %slice3A_470 = vector.extract_strided_slice %mul3A_469 {offsets = [0], sizes = [1], strides = [1]} : vector<16xi32> to vector<1xi32>
    %squeeze3A_471 = vector.extract %slice3A_470[0] : i32 from vector<1xi32>
    %swap3A_472 = arith.constant 80 : i32
    %swap3A_473 = arith.index_cast %swap3A_472 : i32 to index
    %swap3A_474 = memref.load %arg10[%swap3A_473] : memref<128xi32, #tpu.memory_space<smem>>
    memref.store %squeeze3A_471, %arg10[%swap3A_473] : memref<128xi32, #tpu.memory_space<smem>>
    %slice3A_475 = vector.extract_strided_slice %mul3A_469 {offsets = [1], sizes = [1], strides = [1]} : vector<16xi32> to vector<1xi32>
    %squeeze3A_476 = vector.extract %slice3A_475[0] : i32 from vector<1xi32>
    %swap3A_477 = arith.constant 81 : i32
    %swap3A_478 = arith.index_cast %swap3A_477 : i32 to index
    %swap3A_479 = memref.load %arg10[%swap3A_478] : memref<128xi32, #tpu.memory_space<smem>>
    memref.store %squeeze3A_476, %arg10[%swap3A_478] : memref<128xi32, #tpu.memory_space<smem>>
    %slice3A_480 = vector.extract_strided_slice %mul3A_469 {offsets = [2], sizes = [1], strides = [1]} : vector<16xi32> to vector<1xi32>
    %squeeze3A_481 = vector.extract %slice3A_480[0] : i32 from vector<1xi32>
    %swap3A_482 = arith.constant 82 : i32
    %swap3A_483 = arith.index_cast %swap3A_482 : i32 to index
    %swap3A_484 = memref.load %arg10[%swap3A_483] : memref<128xi32, #tpu.memory_space<smem>>
    memref.store %squeeze3A_481, %arg10[%swap3A_483] : memref<128xi32, #tpu.memory_space<smem>>
    %slice3A_485 = vector.extract_strided_slice %mul3A_469 {offsets = [3], sizes = [1], strides = [1]} : vector<16xi32> to vector<1xi32>
    %squeeze3A_486 = vector.extract %slice3A_485[0] : i32 from vector<1xi32>
    %swap3A_487 = arith.constant 83 : i32
    %swap3A_488 = arith.index_cast %swap3A_487 : i32 to index
    %swap3A_489 = memref.load %arg10[%swap3A_488] : memref<128xi32, #tpu.memory_space<smem>>
    memref.store %squeeze3A_486, %arg10[%swap3A_488] : memref<128xi32, #tpu.memory_space<smem>>
    %slice3A_490 = vector.extract_strided_slice %mul3A_469 {offsets = [4], sizes = [1], strides = [1]} : vector<16xi32> to vector<1xi32>
    %squeeze3A_491 = vector.extract %slice3A_490[0] : i32 from vector<1xi32>
    %swap3A_492 = arith.constant 84 : i32
    %swap3A_493 = arith.index_cast %swap3A_492 : i32 to index
    %swap3A_494 = memref.load %arg10[%swap3A_493] : memref<128xi32, #tpu.memory_space<smem>>
    memref.store %squeeze3A_491, %arg10[%swap3A_493] : memref<128xi32, #tpu.memory_space<smem>>
    %slice3A_495 = vector.extract_strided_slice %mul3A_469 {offsets = [5], sizes = [1], strides = [1]} : vector<16xi32> to vector<1xi32>
    %squeeze3A_496 = vector.extract %slice3A_495[0] : i32 from vector<1xi32>
    %swap3A_497 = arith.constant 85 : i32
    %swap3A_498 = arith.index_cast %swap3A_497 : i32 to index
    %swap3A_499 = memref.load %arg10[%swap3A_498] : memref<128xi32, #tpu.memory_space<smem>>
    memref.store %squeeze3A_496, %arg10[%swap3A_498] : memref<128xi32, #tpu.memory_space<smem>>
    %slice3A_500 = vector.extract_strided_slice %mul3A_469 {offsets = [6], sizes = [1], strides = [1]} : vector<16xi32> to vector<1xi32>
    %squeeze3A_501 = vector.extract %slice3A_500[0] : i32 from vector<1xi32>
    %swap3A_502 = arith.constant 86 : i32
    %swap3A_503 = arith.index_cast %swap3A_502 : i32 to index
    %swap3A_504 = memref.load %arg10[%swap3A_503] : memref<128xi32, #tpu.memory_space<smem>>
    memref.store %squeeze3A_501, %arg10[%swap3A_503] : memref<128xi32, #tpu.memory_space<smem>>
    %slice3A_505 = vector.extract_strided_slice %mul3A_469 {offsets = [7], sizes = [1], strides = [1]} : vector<16xi32> to vector<1xi32>
    %squeeze3A_506 = vector.extract %slice3A_505[0] : i32 from vector<1xi32>
    %swap3A_507 = arith.constant 87 : i32
    %swap3A_508 = arith.index_cast %swap3A_507 : i32 to index
    %swap3A_509 = memref.load %arg10[%swap3A_508] : memref<128xi32, #tpu.memory_space<smem>>
    memref.store %squeeze3A_506, %arg10[%swap3A_508] : memref<128xi32, #tpu.memory_space<smem>>
    %slice3A_510 = vector.extract_strided_slice %mul3A_469 {offsets = [8], sizes = [1], strides = [1]} : vector<16xi32> to vector<1xi32>
    %squeeze3A_511 = vector.extract %slice3A_510[0] : i32 from vector<1xi32>
    %swap3A_512 = arith.constant 88 : i32
    %swap3A_513 = arith.index_cast %swap3A_512 : i32 to index
    %swap3A_514 = memref.load %arg10[%swap3A_513] : memref<128xi32, #tpu.memory_space<smem>>
    memref.store %squeeze3A_511, %arg10[%swap3A_513] : memref<128xi32, #tpu.memory_space<smem>>
    %slice3A_515 = vector.extract_strided_slice %mul3A_469 {offsets = [9], sizes = [1], strides = [1]} : vector<16xi32> to vector<1xi32>
    %squeeze3A_516 = vector.extract %slice3A_515[0] : i32 from vector<1xi32>
    %swap3A_517 = arith.constant 89 : i32
    %swap3A_518 = arith.index_cast %swap3A_517 : i32 to index
    %swap3A_519 = memref.load %arg10[%swap3A_518] : memref<128xi32, #tpu.memory_space<smem>>
    memref.store %squeeze3A_516, %arg10[%swap3A_518] : memref<128xi32, #tpu.memory_space<smem>>
    %slice3A_520 = vector.extract_strided_slice %mul3A_469 {offsets = [10], sizes = [1], strides = [1]} : vector<16xi32> to vector<1xi32>
    %squeeze3A_521 = vector.extract %slice3A_520[0] : i32 from vector<1xi32>
    %swap3A_522 = arith.constant 90 : i32
    %swap3A_523 = arith.index_cast %swap3A_522 : i32 to index
    %swap3A_524 = memref.load %arg10[%swap3A_523] : memref<128xi32, #tpu.memory_space<smem>>
    memref.store %squeeze3A_521, %arg10[%swap3A_523] : memref<128xi32, #tpu.memory_space<smem>>
    %slice3A_525 = vector.extract_strided_slice %mul3A_469 {offsets = [11], sizes = [1], strides = [1]} : vector<16xi32> to vector<1xi32>
    %squeeze3A_526 = vector.extract %slice3A_525[0] : i32 from vector<1xi32>
    %swap3A_527 = arith.constant 91 : i32
    %swap3A_528 = arith.index_cast %swap3A_527 : i32 to index
    %swap3A_529 = memref.load %arg10[%swap3A_528] : memref<128xi32, #tpu.memory_space<smem>>
    memref.store %squeeze3A_526, %arg10[%swap3A_528] : memref<128xi32, #tpu.memory_space<smem>>
    %slice3A_530 = vector.extract_strided_slice %mul3A_469 {offsets = [12], sizes = [1], strides = [1]} : vector<16xi32> to vector<1xi32>
    %squeeze3A_531 = vector.extract %slice3A_530[0] : i32 from vector<1xi32>
    %swap3A_532 = arith.constant 92 : i32
    %swap3A_533 = arith.index_cast %swap3A_532 : i32 to index
    %swap3A_534 = memref.load %arg10[%swap3A_533] : memref<128xi32, #tpu.memory_space<smem>>
    memref.store %squeeze3A_531, %arg10[%swap3A_533] : memref<128xi32, #tpu.memory_space<smem>>
    %slice3A_535 = vector.extract_strided_slice %mul3A_469 {offsets = [13], sizes = [1], strides = [1]} : vector<16xi32> to vector<1xi32>
    %squeeze3A_536 = vector.extract %slice3A_535[0] : i32 from vector<1xi32>
    %swap3A_537 = arith.constant 93 : i32
    %swap3A_538 = arith.index_cast %swap3A_537 : i32 to index
    %swap3A_539 = memref.load %arg10[%swap3A_538] : memref<128xi32, #tpu.memory_space<smem>>
    memref.store %squeeze3A_536, %arg10[%swap3A_538] : memref<128xi32, #tpu.memory_space<smem>>
    %slice3A_540 = vector.extract_strided_slice %mul3A_469 {offsets = [14], sizes = [1], strides = [1]} : vector<16xi32> to vector<1xi32>
    %squeeze3A_541 = vector.extract %slice3A_540[0] : i32 from vector<1xi32>
    %swap3A_542 = arith.constant 94 : i32
    %swap3A_543 = arith.index_cast %swap3A_542 : i32 to index
    %swap3A_544 = memref.load %arg10[%swap3A_543] : memref<128xi32, #tpu.memory_space<smem>>
    memref.store %squeeze3A_541, %arg10[%swap3A_543] : memref<128xi32, #tpu.memory_space<smem>>
    %slice3A_545 = vector.extract_strided_slice %mul3A_469 {offsets = [15], sizes = [1], strides = [1]} : vector<16xi32> to vector<1xi32>
    %squeeze3A_546 = vector.extract %slice3A_545[0] : i32 from vector<1xi32>
    %swap3A_547 = arith.constant 95 : i32
    %swap3A_548 = arith.index_cast %swap3A_547 : i32 to index
    %swap3A_549 = memref.load %arg10[%swap3A_548] : memref<128xi32, #tpu.memory_space<smem>>
    memref.store %squeeze3A_546, %arg10[%swap3A_548] : memref<128xi32, #tpu.memory_space<smem>>
    %get3A_550 = arith.constant 96 : index
    %get3A_551 = tpu.vector_load %arg6[%get3A_550] {strides = array<i32>} : memref<128xi32, #tpu.memory_space<vmem>>, vector<16xi32>,
    %get3A_552 = vector.shape_cast %get3A_551 : vector<16xi32> to vector<16xi32>
    %mul3A_553 = arith.constant 1024 : i32
    %mul3A_554 = vector.broadcast %mul3A_553 : i32 to vector<16xi32>
    %mul3A_555 = arith.muli %get3A_552, %mul3A_554 : vector<16xi32>
    %slice3A_556 = vector.extract_strided_slice %mul3A_555 {offsets = [0], sizes = [1], strides = [1]} : vector<16xi32> to vector<1xi32>
    %squeeze3A_557 = vector.extract %slice3A_556[0] : i32 from vector<1xi32>
    %swap3A_558 = arith.constant 96 : i32
    %swap3A_559 = arith.index_cast %swap3A_558 : i32 to index
    %swap3A_560 = memref.load %arg10[%swap3A_559] : memref<128xi32, #tpu.memory_space<smem>>
    memref.store %squeeze3A_557, %arg10[%swap3A_559] : memref<128xi32, #tpu.memory_space<smem>>
    %slice3A_561 = vector.extract_strided_slice %mul3A_555 {offsets = [1], sizes = [1], strides = [1]} : vector<16xi32> to vector<1xi32>
    %squeeze3A_562 = vector.extract %slice3A_561[0] : i32 from vector<1xi32>
    %swap3A_563 = arith.constant 97 : i32
    %swap3A_564 = arith.index_cast %swap3A_563 : i32 to index
    %swap3A_565 = memref.load %arg10[%swap3A_564] : memref<128xi32, #tpu.memory_space<smem>>
    memref.store %squeeze3A_562, %arg10[%swap3A_564] : memref<128xi32, #tpu.memory_space<smem>>
    %slice3A_566 = vector.extract_strided_slice %mul3A_555 {offsets = [2], sizes = [1], strides = [1]} : vector<16xi32> to vector<1xi32>
    %squeeze3A_567 = vector.extract %slice3A_566[0] : i32 from vector<1xi32>
    %swap3A_568 = arith.constant 98 : i32
    %swap3A_569 = arith.index_cast %swap3A_568 : i32 to index
    %swap3A_570 = memref.load %arg10[%swap3A_569] : memref<128xi32, #tpu.memory_space<smem>>
    memref.store %squeeze3A_567, %arg10[%swap3A_569] : memref<128xi32, #tpu.memory_space<smem>>
    %slice3A_571 = vector.extract_strided_slice %mul3A_555 {offsets = [3], sizes = [1], strides = [1]} : vector<16xi32> to vector<1xi32>
    %squeeze3A_572 = vector.extract %slice3A_571[0] : i32 from vector<1xi32>
    %swap3A_573 = arith.constant 99 : i32
    %swap3A_574 = arith.index_cast %swap3A_573 : i32 to index
    %swap3A_575 = memref.load %arg10[%swap3A_574] : memref<128xi32, #tpu.memory_space<smem>>
    memref.store %squeeze3A_572, %arg10[%swap3A_574] : memref<128xi32, #tpu.memory_space<smem>>
    %slice3A_576 = vector.extract_strided_slice %mul3A_555 {offsets = [4], sizes = [1], strides = [1]} : vector<16xi32> to vector<1xi32>
    %squeeze3A_577 = vector.extract %slice3A_576[0] : i32 from vector<1xi32>
    %swap3A_578 = arith.constant 100 : i32
    %swap3A_579 = arith.index_cast %swap3A_578 : i32 to index
    %swap3A_580 = memref.load %arg10[%swap3A_579] : memref<128xi32, #tpu.memory_space<smem>>
    memref.store %squeeze3A_577, %arg10[%swap3A_579] : memref<128xi32, #tpu.memory_space<smem>>
    %slice3A_581 = vector.extract_strided_slice %mul3A_555 {offsets = [5], sizes = [1], strides = [1]} : vector<16xi32> to vector<1xi32>
    %squeeze3A_582 = vector.extract %slice3A_581[0] : i32 from vector<1xi32>
    %swap3A_583 = arith.constant 101 : i32
    %swap3A_584 = arith.index_cast %swap3A_583 : i32 to index
    %swap3A_585 = memref.load %arg10[%swap3A_584] : memref<128xi32, #tpu.memory_space<smem>>
    memref.store %squeeze3A_582, %arg10[%swap3A_584] : memref<128xi32, #tpu.memory_space<smem>>
    %slice3A_586 = vector.extract_strided_slice %mul3A_555 {offsets = [6], sizes = [1], strides = [1]} : vector<16xi32> to vector<1xi32>
    %squeeze3A_587 = vector.extract %slice3A_586[0] : i32 from vector<1xi32>
    %swap3A_588 = arith.constant 102 : i32
    %swap3A_589 = arith.index_cast %swap3A_588 : i32 to index
    %swap3A_590 = memref.load %arg10[%swap3A_589] : memref<128xi32, #tpu.memory_space<smem>>
    memref.store %squeeze3A_587, %arg10[%swap3A_589] : memref<128xi32, #tpu.memory_space<smem>>
    %slice3A_591 = vector.extract_strided_slice %mul3A_555 {offsets = [7], sizes = [1], strides = [1]} : vector<16xi32> to vector<1xi32>
    %squeeze3A_592 = vector.extract %slice3A_591[0] : i32 from vector<1xi32>
    %swap3A_593 = arith.constant 103 : i32
    %swap3A_594 = arith.index_cast %swap3A_593 : i32 to index
    %swap3A_595 = memref.load %arg10[%swap3A_594] : memref<128xi32, #tpu.memory_space<smem>>
    memref.store %squeeze3A_592, %arg10[%swap3A_594] : memref<128xi32, #tpu.memory_space<smem>>
    %slice3A_596 = vector.extract_strided_slice %mul3A_555 {offsets = [8], sizes = [1], strides = [1]} : vector<16xi32> to vector<1xi32>
    %squeeze3A_597 = vector.extract %slice3A_596[0] : i32 from vector<1xi32>
    %swap3A_598 = arith.constant 104 : i32
    %swap3A_599 = arith.index_cast %swap3A_598 : i32 to index
    %swap3A_600 = memref.load %arg10[%swap3A_599] : memref<128xi32, #tpu.memory_space<smem>>
    memref.store %squeeze3A_597, %arg10[%swap3A_599] : memref<128xi32, #tpu.memory_space<smem>>
    %slice3A_601 = vector.extract_strided_slice %mul3A_555 {offsets = [9], sizes = [1], strides = [1]} : vector<16xi32> to vector<1xi32>
    %squeeze3A_602 = vector.extract %slice3A_601[0] : i32 from vector<1xi32>
    %swap3A_603 = arith.constant 105 : i32
    %swap3A_604 = arith.index_cast %swap3A_603 : i32 to index
    %swap3A_605 = memref.load %arg10[%swap3A_604] : memref<128xi32, #tpu.memory_space<smem>>
    memref.store %squeeze3A_602, %arg10[%swap3A_604] : memref<128xi32, #tpu.memory_space<smem>>
    %slice3A_606 = vector.extract_strided_slice %mul3A_555 {offsets = [10], sizes = [1], strides = [1]} : vector<16xi32> to vector<1xi32>
    %squeeze3A_607 = vector.extract %slice3A_606[0] : i32 from vector<1xi32>
    %swap3A_608 = arith.constant 106 : i32
    %swap3A_609 = arith.index_cast %swap3A_608 : i32 to index
    %swap3A_610 = memref.load %arg10[%swap3A_609] : memref<128xi32, #tpu.memory_space<smem>>
    memref.store %squeeze3A_607, %arg10[%swap3A_609] : memref<128xi32, #tpu.memory_space<smem>>
    %slice3A_611 = vector.extract_strided_slice %mul3A_555 {offsets = [11], sizes = [1], strides = [1]} : vector<16xi32> to vector<1xi32>
    %squeeze3A_612 = vector.extract %slice3A_611[0] : i32 from vector<1xi32>
    %swap3A_613 = arith.constant 107 : i32
    %swap3A_614 = arith.index_cast %swap3A_613 : i32 to index
    %swap3A_615 = memref.load %arg10[%swap3A_614] : memref<128xi32, #tpu.memory_space<smem>>
    memref.store %squeeze3A_612, %arg10[%swap3A_614] : memref<128xi32, #tpu.memory_space<smem>>
    %slice3A_616 = vector.extract_strided_slice %mul3A_555 {offsets = [12], sizes = [1], strides = [1]} : vector<16xi32> to vector<1xi32>
    %squeeze3A_617 = vector.extract %slice3A_616[0] : i32 from vector<1xi32>
    %swap3A_618 = arith.constant 108 : i32
    %swap3A_619 = arith.index_cast %swap3A_618 : i32 to index
    %swap3A_620 = memref.load %arg10[%swap3A_619] : memref<128xi32, #tpu.memory_space<smem>>
    memref.store %squeeze3A_617, %arg10[%swap3A_619] : memref<128xi32, #tpu.memory_space<smem>>
    %slice3A_621 = vector.extract_strided_slice %mul3A_555 {offsets = [13], sizes = [1], strides = [1]} : vector<16xi32> to vector<1xi32>
    %squeeze3A_622 = vector.extract %slice3A_621[0] : i32 from vector<1xi32>
    %swap3A_623 = arith.constant 109 : i32
    %swap3A_624 = arith.index_cast %swap3A_623 : i32 to index
    %swap3A_625 = memref.load %arg10[%swap3A_624] : memref<128xi32, #tpu.memory_space<smem>>
    memref.store %squeeze3A_622, %arg10[%swap3A_624] : memref<128xi32, #tpu.memory_space<smem>>
    %slice3A_626 = vector.extract_strided_slice %mul3A_555 {offsets = [14], sizes = [1], strides = [1]} : vector<16xi32> to vector<1xi32>
    %squeeze3A_627 = vector.extract %slice3A_626[0] : i32 from vector<1xi32>
    %swap3A_628 = arith.constant 110 : i32
    %swap3A_629 = arith.index_cast %swap3A_628 : i32 to index
    %swap3A_630 = memref.load %arg10[%swap3A_629] : memref<128xi32, #tpu.memory_space<smem>>
    memref.store %squeeze3A_627, %arg10[%swap3A_629] : memref<128xi32, #tpu.memory_space<smem>>
    %slice3A_631 = vector.extract_strided_slice %mul3A_555 {offsets = [15], sizes = [1], strides = [1]} : vector<16xi32> to vector<1xi32>
    %squeeze3A_632 = vector.extract %slice3A_631[0] : i32 from vector<1xi32>
    %swap3A_633 = arith.constant 111 : i32
    %swap3A_634 = arith.index_cast %swap3A_633 : i32 to index
    %swap3A_635 = memref.load %arg10[%swap3A_634] : memref<128xi32, #tpu.memory_space<smem>>
    memref.store %squeeze3A_632, %arg10[%swap3A_634] : memref<128xi32, #tpu.memory_space<smem>>
    %get3A_636 = arith.constant 112 : index
    %get3A_637 = tpu.vector_load %arg6[%get3A_636] {strides = array<i32>} : memref<128xi32, #tpu.memory_space<vmem>>, vector<16xi32>,
    %get3A_638 = vector.shape_cast %get3A_637 : vector<16xi32> to vector<16xi32>
    %mul3A_639 = arith.constant 1024 : i32
    %mul3A_640 = vector.broadcast %mul3A_639 : i32 to vector<16xi32>
    %mul3A_641 = arith.muli %get3A_638, %mul3A_640 : vector<16xi32>
    %slice3A_642 = vector.extract_strided_slice %mul3A_641 {offsets = [0], sizes = [1], strides = [1]} : vector<16xi32> to vector<1xi32>
    %squeeze3A_643 = vector.extract %slice3A_642[0] : i32 from vector<1xi32>
    %swap3A_644 = arith.constant 112 : i32
    %swap3A_645 = arith.index_cast %swap3A_644 : i32 to index
    %swap3A_646 = memref.load %arg10[%swap3A_645] : memref<128xi32, #tpu.memory_space<smem>>
    memref.store %squeeze3A_643, %arg10[%swap3A_645] : memref<128xi32, #tpu.memory_space<smem>>
    %slice3A_647 = vector.extract_strided_slice %mul3A_641 {offsets = [1], sizes = [1], strides = [1]} : vector<16xi32> to vector<1xi32>
    %squeeze3A_648 = vector.extract %slice3A_647[0] : i32 from vector<1xi32>
    %swap3A_649 = arith.constant 113 : i32
    %swap3A_650 = arith.index_cast %swap3A_649 : i32 to index
    %swap3A_651 = memref.load %arg10[%swap3A_650] : memref<128xi32, #tpu.memory_space<smem>>
    memref.store %squeeze3A_648, %arg10[%swap3A_650] : memref<128xi32, #tpu.memory_space<smem>>
    %slice3A_652 = vector.extract_strided_slice %mul3A_641 {offsets = [2], sizes = [1], strides = [1]} : vector<16xi32> to vector<1xi32>
    %squeeze3A_653 = vector.extract %slice3A_652[0] : i32 from vector<1xi32>
    %swap3A_654 = arith.constant 114 : i32
    %swap3A_655 = arith.index_cast %swap3A_654 : i32 to index
    %swap3A_656 = memref.load %arg10[%swap3A_655] : memref<128xi32, #tpu.memory_space<smem>>
    memref.store %squeeze3A_653, %arg10[%swap3A_655] : memref<128xi32, #tpu.memory_space<smem>>
    %slice3A_657 = vector.extract_strided_slice %mul3A_641 {offsets = [3], sizes = [1], strides = [1]} : vector<16xi32> to vector<1xi32>
    %squeeze3A_658 = vector.extract %slice3A_657[0] : i32 from vector<1xi32>
    %swap3A_659 = arith.constant 115 : i32
    %swap3A_660 = arith.index_cast %swap3A_659 : i32 to index
    %swap3A_661 = memref.load %arg10[%swap3A_660] : memref<128xi32, #tpu.memory_space<smem>>
    memref.store %squeeze3A_658, %arg10[%swap3A_660] : memref<128xi32, #tpu.memory_space<smem>>
    %slice3A_662 = vector.extract_strided_slice %mul3A_641 {offsets = [4], sizes = [1], strides = [1]} : vector<16xi32> to vector<1xi32>
    %squeeze3A_663 = vector.extract %slice3A_662[0] : i32 from vector<1xi32>
    %swap3A_664 = arith.constant 116 : i32
    %swap3A_665 = arith.index_cast %swap3A_664 : i32 to index
    %swap3A_666 = memref.load %arg10[%swap3A_665] : memref<128xi32, #tpu.memory_space<smem>>
    memref.store %squeeze3A_663, %arg10[%swap3A_665] : memref<128xi32, #tpu.memory_space<smem>>
    %slice3A_667 = vector.extract_strided_slice %mul3A_641 {offsets = [5], sizes = [1], strides = [1]} : vector<16xi32> to vector<1xi32>
    %squeeze3A_668 = vector.extract %slice3A_667[0] : i32 from vector<1xi32>
    %swap3A_669 = arith.constant 117 : i32
    %swap3A_670 = arith.index_cast %swap3A_669 : i32 to index
    %swap3A_671 = memref.load %arg10[%swap3A_670] : memref<128xi32, #tpu.memory_space<smem>>
    memref.store %squeeze3A_668, %arg10[%swap3A_670] : memref<128xi32, #tpu.memory_space<smem>>
    %slice3A_672 = vector.extract_strided_slice %mul3A_641 {offsets = [6], sizes = [1], strides = [1]} : vector<16xi32> to vector<1xi32>
    %squeeze3A_673 = vector.extract %slice3A_672[0] : i32 from vector<1xi32>
    %swap3A_674 = arith.constant 118 : i32
    %swap3A_675 = arith.index_cast %swap3A_674 : i32 to index
    %swap3A_676 = memref.load %arg10[%swap3A_675] : memref<128xi32, #tpu.memory_space<smem>>
    memref.store %squeeze3A_673, %arg10[%swap3A_675] : memref<128xi32, #tpu.memory_space<smem>>
    %slice3A_677 = vector.extract_strided_slice %mul3A_641 {offsets = [7], sizes = [1], strides = [1]} : vector<16xi32> to vector<1xi32>
    %squeeze3A_678 = vector.extract %slice3A_677[0] : i32 from vector<1xi32>
    %swap3A_679 = arith.constant 119 : i32
    %swap3A_680 = arith.index_cast %swap3A_679 : i32 to index
    %swap3A_681 = memref.load %arg10[%swap3A_680] : memref<128xi32, #tpu.memory_space<smem>>
    memref.store %squeeze3A_678, %arg10[%swap3A_680] : memref<128xi32, #tpu.memory_space<smem>>
    %slice3A_682 = vector.extract_strided_slice %mul3A_641 {offsets = [8], sizes = [1], strides = [1]} : vector<16xi32> to vector<1xi32>
    %squeeze3A_683 = vector.extract %slice3A_682[0] : i32 from vector<1xi32>
    %swap3A_684 = arith.constant 120 : i32
    %swap3A_685 = arith.index_cast %swap3A_684 : i32 to index
    %swap3A_686 = memref.load %arg10[%swap3A_685] : memref<128xi32, #tpu.memory_space<smem>>
    memref.store %squeeze3A_683, %arg10[%swap3A_685] : memref<128xi32, #tpu.memory_space<smem>>
    %slice3A_687 = vector.extract_strided_slice %mul3A_641 {offsets = [9], sizes = [1], strides = [1]} : vector<16xi32> to vector<1xi32>
    %squeeze3A_688 = vector.extract %slice3A_687[0] : i32 from vector<1xi32>
    %swap3A_689 = arith.constant 121 : i32
    %swap3A_690 = arith.index_cast %swap3A_689 : i32 to index
    %swap3A_691 = memref.load %arg10[%swap3A_690] : memref<128xi32, #tpu.memory_space<smem>>
    memref.store %squeeze3A_688, %arg10[%swap3A_690] : memref<128xi32, #tpu.memory_space<smem>>
    %slice3A_692 = vector.extract_strided_slice %mul3A_641 {offsets = [10], sizes = [1], strides = [1]} : vector<16xi32> to vector<1xi32>
    %squeeze3A_693 = vector.extract %slice3A_692[0] : i32 from vector<1xi32>
    %swap3A_694 = arith.constant 122 : i32
    %swap3A_695 = arith.index_cast %swap3A_694 : i32 to index
    %swap3A_696 = memref.load %arg10[%swap3A_695] : memref<128xi32, #tpu.memory_space<smem>>
    memref.store %squeeze3A_693, %arg10[%swap3A_695] : memref<128xi32, #tpu.memory_space<smem>>
    %slice3A_697 = vector.extract_strided_slice %mul3A_641 {offsets = [11], sizes = [1], strides = [1]} : vector<16xi32> to vector<1xi32>
    %squeeze3A_698 = vector.extract %slice3A_697[0] : i32 from vector<1xi32>
    %swap3A_699 = arith.constant 123 : i32
    %swap3A_700 = arith.index_cast %swap3A_699 : i32 to index
    %swap3A_701 = memref.load %arg10[%swap3A_700] : memref<128xi32, #tpu.memory_space<smem>>
    memref.store %squeeze3A_698, %arg10[%swap3A_700] : memref<128xi32, #tpu.memory_space<smem>>
    %slice3A_702 = vector.extract_strided_slice %mul3A_641 {offsets = [12], sizes = [1], strides = [1]} : vector<16xi32> to vector<1xi32>
    %squeeze3A_703 = vector.extract %slice3A_702[0] : i32 from vector<1xi32>
    %swap3A_704 = arith.constant 124 : i32
    %swap3A_705 = arith.index_cast %swap3A_704 : i32 to index
    %swap3A_706 = memref.load %arg10[%swap3A_705] : memref<128xi32, #tpu.memory_space<smem>>
    memref.store %squeeze3A_703, %arg10[%swap3A_705] : memref<128xi32, #tpu.memory_space<smem>>
    %slice3A_707 = vector.extract_strided_slice %mul3A_641 {offsets = [13], sizes = [1], strides = [1]} : vector<16xi32> to vector<1xi32>
    %squeeze3A_708 = vector.extract %slice3A_707[0] : i32 from vector<1xi32>
    %swap3A_709 = arith.constant 125 : i32
    %swap3A_710 = arith.index_cast %swap3A_709 : i32 to index
    %swap3A_711 = memref.load %arg10[%swap3A_710] : memref<128xi32, #tpu.memory_space<smem>>
    memref.store %squeeze3A_708, %arg10[%swap3A_710] : memref<128xi32, #tpu.memory_space<smem>>
    %slice3A_712 = vector.extract_strided_slice %mul3A_641 {offsets = [14], sizes = [1], strides = [1]} : vector<16xi32> to vector<1xi32>
    %squeeze3A_713 = vector.extract %slice3A_712[0] : i32 from vector<1xi32>
    %swap3A_714 = arith.constant 126 : i32
    %swap3A_715 = arith.index_cast %swap3A_714 : i32 to index
    %swap3A_716 = memref.load %arg10[%swap3A_715] : memref<128xi32, #tpu.memory_space<smem>>
    memref.store %squeeze3A_713, %arg10[%swap3A_715] : memref<128xi32, #tpu.memory_space<smem>>
    %slice3A_717 = vector.extract_strided_slice %mul3A_641 {offsets = [15], sizes = [1], strides = [1]} : vector<16xi32> to vector<1xi32>
    %squeeze3A_718 = vector.extract %slice3A_717[0] : i32 from vector<1xi32>
    %swap3A_719 = arith.constant 127 : i32
    %swap3A_720 = arith.index_cast %swap3A_719 : i32 to index
    %swap3A_721 = memref.load %arg10[%swap3A_720] : memref<128xi32, #tpu.memory_space<smem>>
    memref.store %squeeze3A_718, %arg10[%swap3A_720] : memref<128xi32, #tpu.memory_space<smem>>
    %scan3A = arith.constant 0 : i32
    %scan3A_722 = arith.constant 0 : i32
    %scan3A_723 = arith.constant 4 : i32
    %scan3A_724 = arith.addi %scan3A_722, %scan3A_723 : i32
    %scan3A_725 = arith.constant 1 : i32
    scf.for %scan3A_762 = %scan3A_722 to %scan3A_724 step %scan3A_725  : i32 {
      %mul3A_763 = arith.constant 2 : i32
      %mul3A_764 = arith.muli %mul3A_763, %scan3A_762 : i32
      %add3A_765 = arith.constant 0 : i32
      %add3A_766 = arith.addi %mul3A_764, %add3A_765 : i32
      %mul3A_767 = arith.constant 16 : i32
      %mul3A_768 = arith.muli %add3A_766, %mul3A_767 : i32
      %add3A_769 = arith.addi %mul3A_2, %mul3A_768 : i32
      %dma_wait3A_770 = arith.constant 0 : i32
      %dma_wait3A_771 = arith.constant 0 : i32
      %dma_wait3A_772 = arith.constant 0 : i32
      %dma_wait3A_773 = arith.constant 0 : i32
      %dma_wait3A_774 = tpu.memref_slice %arg8[%dma_wait3A_770, %dma_wait3A_772, %dma_wait3A_773] : memref<2x16x1024xf32, #tpu.memory_space<vmem>> -> memref<1x16x1024xf32, #tpu.memory_space<vmem>>
      %dma_wait3A_775 = tpu.memref_squeeze %dma_wait3A_774 : memref<1x16x1024xf32, #tpu.memory_space<vmem>> -> memref<16x1024xf32, #tpu.memory_space<vmem>>
      %dma_wait3A_776 = arith.constant 0 : i32
      %dma_wait3A_777 = tpu.memref_slice %arg2[%add3A_769, %dma_wait3A_776] : memref<4096x1024xf32, #tpu.memory_space<hbm>> -> memref<16x1024xf32, #tpu.memory_space<hbm>>
      %dma_wait3A_778 = tpu.memref_slice %arg11[%dma_wait3A_771] : memref<2x!tpu.dma_semaphore, #tpu.memory_space<semaphore_mem>> -> memref<1x!tpu.dma_semaphore, #tpu.memory_space<semaphore_mem>>
      %dma_wait3A_779 = tpu.memref_squeeze %dma_wait3A_778 : memref<1x!tpu.dma_semaphore, #tpu.memory_space<semaphore_mem>> -> memref<!tpu.dma_semaphore, #tpu.memory_space<semaphore_mem>>
      %dma_wait3A_780 = arith.constant 0 : i32
      %dma_wait3A_781 = arith.constant 0 : i32
      %dma_wait3A_782 = tpu.memref_slice %arg8[%dma_wait3A_770, %dma_wait3A_780, %dma_wait3A_781] : memref<2x16x1024xf32, #tpu.memory_space<vmem>> -> memref<1x16x1024xf32, #tpu.memory_space<vmem>>
      %dma_wait3A_783 = tpu.memref_squeeze %dma_wait3A_782 : memref<1x16x1024xf32, #tpu.memory_space<vmem>> -> memref<16x1024xf32, #tpu.memory_space<vmem>>
      %dma_wait3A_784 = arith.constant 0 : i32
      %dma_wait3A_785 = tpu.memref_slice %arg2[%add3A_769, %dma_wait3A_784] : memref<4096x1024xf32, #tpu.memory_space<hbm>> -> memref<16x1024xf32, #tpu.memory_space<hbm>>
      tpu.wait_dma2 semaphore(%dma_wait3A_779 : memref<!tpu.dma_semaphore, #tpu.memory_space<semaphore_mem>>) src(%dma_wait3A_785 : memref<16x1024xf32, #tpu.memory_space<hbm>>) dst(%dma_wait3A_783 : memref<16x1024xf32, #tpu.memory_space<vmem>>)
      %gt3A = arith.constant 0 : i32
      %gt3A_786 = arith.cmpi sgt, %scan3A_762, %gt3A : i32
      %convert_element_type3A = arith.extui %gt3A_786 : i1 to i32
      %cond3A = arith.constant 0 : i32
      %cond3A_787 = arith.cmpi ne, %convert_element_type3A, %cond3A : i32
      scf.if %cond3A_787 {
        %sub3A = arith.constant 2 : i32
        %sub3A_862 = arith.subi %add3A_766, %sub3A : i32
        %mul3A_863 = arith.constant 16 : i32
        %mul3A_864 = arith.muli %sub3A_862, %mul3A_863 : i32
        %add3A_865 = arith.addi %mul3A_2, %mul3A_864 : i32
        %dma_wait3A_866 = arith.constant 0 : i32
        %dma_wait3A_867 = arith.constant 0 : i32
        %dma_wait3A_868 = arith.constant 0 : i32
        %dma_wait3A_869 = arith.constant 0 : i32
        %dma_wait3A_870 = tpu.memref_slice %arg9[%dma_wait3A_866, %dma_wait3A_868, %dma_wait3A_869] : memref<2x16x1024xf32, #tpu.memory_space<vmem>> -> memref<1x16x1024xf32, #tpu.memory_space<vmem>>
        %dma_wait3A_871 = tpu.memref_squeeze %dma_wait3A_870 : memref<1x16x1024xf32, #tpu.memory_space<vmem>> -> memref<16x1024xf32, #tpu.memory_space<vmem>>
        %dma_wait3A_872 = arith.constant 0 : i32
        %dma_wait3A_873 = tpu.memref_slice %arg5[%add3A_865, %dma_wait3A_872] : memref<4096x1024xf32, #tpu.memory_space<hbm>> -> memref<16x1024xf32, #tpu.memory_space<hbm>>
        %dma_wait3A_874 = tpu.memref_slice %arg12[%dma_wait3A_867] : memref<2x!tpu.dma_semaphore, #tpu.memory_space<semaphore_mem>> -> memref<1x!tpu.dma_semaphore, #tpu.memory_space<semaphore_mem>>
        %dma_wait3A_875 = tpu.memref_squeeze %dma_wait3A_874 : memref<1x!tpu.dma_semaphore, #tpu.memory_space<semaphore_mem>> -> memref<!tpu.dma_semaphore, #tpu.memory_space<semaphore_mem>>
        %dma_wait3A_876 = arith.constant 0 : i32
        %dma_wait3A_877 = tpu.memref_slice %arg5[%add3A_865, %dma_wait3A_876] : memref<4096x1024xf32, #tpu.memory_space<hbm>> -> memref<16x1024xf32, #tpu.memory_space<hbm>>
        %dma_wait3A_878 = arith.constant 0 : i32
        %dma_wait3A_879 = arith.constant 0 : i32
        %dma_wait3A_880 = tpu.memref_slice %arg9[%dma_wait3A_866, %dma_wait3A_878, %dma_wait3A_879] : memref<2x16x1024xf32, #tpu.memory_space<vmem>> -> memref<1x16x1024xf32, #tpu.memory_space<vmem>>
        %dma_wait3A_881 = tpu.memref_squeeze %dma_wait3A_880 : memref<1x16x1024xf32, #tpu.memory_space<vmem>> -> memref<16x1024xf32, #tpu.memory_space<vmem>>
        tpu.wait_dma2 semaphore(%dma_wait3A_875 : memref<!tpu.dma_semaphore, #tpu.memory_space<semaphore_mem>>) src(%dma_wait3A_881 : memref<16x1024xf32, #tpu.memory_space<vmem>>) dst(%dma_wait3A_877 : memref<16x1024xf32, #tpu.memory_space<hbm>>)
      } else {
      }
      %parallel_loop3A = arith.constant 0 : i32
      %parallel_loop3A_788 = arith.constant 16 : i32
      %parallel_loop3A_789 = arith.constant 1 : i32
      scf.for %parallel_loop3A_862 = %parallel_loop3A to %parallel_loop3A_788 step %parallel_loop3A_789  : i32 {
        %parallel_loop3A_863 = arith.constant 16 : i32
        %parallel_loop3A_864 = arith.muli %add3A_766, %parallel_loop3A_863 : i32
        %parallel_loop3A_865 = arith.addi %parallel_loop3A_864, %parallel_loop3A_862 : i32
        %parallel_loop3A_866 = arith.index_cast %parallel_loop3A_865 : i32 to index
        %parallel_loop3A_867 = memref.load %arg10[%parallel_loop3A_866] : memref<128xi32, #tpu.memory_space<smem>>
        %parallel_loop3A_868 = arith.constant 0 : i32
        %parallel_loop3A_869 = arith.constant 64 : i32
        %parallel_loop3A_870 = arith.constant 1 : i32
        scf.for %parallel_loop3A_871 = %parallel_loop3A_868 to %parallel_loop3A_869 step %parallel_loop3A_870  : i32 {
          %parallel_loop3A_872 = arith.constant 16 : i32
          %parallel_loop3A_873 = arith.muli %parallel_loop3A_871, %parallel_loop3A_872 : i32
          %parallel_loop3A_874 = arith.addi %parallel_loop3A_867, %parallel_loop3A_873 : i32
          %parallel_loop3A_875 = arith.index_cast %parallel_loop3A_874 : i32 to index
          %parallel_loop3A_876 = tpu.vector_load %arg7[%parallel_loop3A_875] {strides = array<i32>} : memref<4096xi32, #tpu.memory_space<vmem>>, vector<16xi32>,
          %parallel_loop3A_877 = vector.shape_cast %parallel_loop3A_876 : vector<16xi32> to vector<16xi32>
          %parallel_loop3A_878 = arith.constant -65536 : i32
          %parallel_loop3A_879 = vector.broadcast %parallel_loop3A_878 : i32 to vector<16xi32>
          %parallel_loop3A_880 = arith.andi %parallel_loop3A_877, %parallel_loop3A_879 : vector<16xi32>
          %parallel_loop3A_881 = tpu.bitcast %parallel_loop3A_880 : vector<16xi32> -> vector<16xf32>
          %parallel_loop3A_882 = arith.constant 16 : i32
          %parallel_loop3A_883 = vector.broadcast %parallel_loop3A_882 : i32 to vector<16xi32>
          %parallel_loop3A_884 = arith.shli %parallel_loop3A_877, %parallel_loop3A_883 : vector<16xi32>
          %parallel_loop3A_885 = tpu.bitcast %parallel_loop3A_884 : vector<16xi32> -> vector<16xf32>
          %parallel_loop3A_886 = arith.constant 0 : i32
          %parallel_loop3A_887 = arith.index_cast %parallel_loop3A_886 : i32 to index
          %parallel_loop3A_888 = arith.index_cast %parallel_loop3A_862 : i32 to index
          %parallel_loop3A_889 = arith.index_cast %parallel_loop3A_873 : i32 to index
          %parallel_loop3A_890 = tpu.vector_load %arg8[%parallel_loop3A_887, %parallel_loop3A_888, %parallel_loop3A_889] {strides = array<i32>} : memref<2x16x1024xf32, #tpu.memory_space<vmem>>, vector<1x1x16xf32>,
          %parallel_loop3A_891 = vector.shape_cast %parallel_loop3A_890 : vector<1x1x16xf32> to vector<16xf32>
          %parallel_loop3A_892 = arith.mulf %parallel_loop3A_891, %parallel_loop3A_881 : vector<16xf32>
          %parallel_loop3A_893 = arith.addf %parallel_loop3A_892, %parallel_loop3A_885 : vector<16xf32>
          %parallel_loop3A_894 = arith.constant 0 : i32
          %parallel_loop3A_895 = arith.index_cast %parallel_loop3A_894 : i32 to index
          %parallel_loop3A_896 = arith.index_cast %parallel_loop3A_862 : i32 to index
          %parallel_loop3A_897 = arith.index_cast %parallel_loop3A_873 : i32 to index
          %parallel_loop3A_898 = tpu.vector_load %arg9[%parallel_loop3A_895, %parallel_loop3A_896, %parallel_loop3A_897] {strides = array<i32>} : memref<2x16x1024xf32, #tpu.memory_space<vmem>>, vector<1x1x16xf32>,
          %parallel_loop3A_899 = vector.shape_cast %parallel_loop3A_898 : vector<1x1x16xf32> to vector<16xf32>
          %parallel_loop3A_900 = vector.shape_cast %parallel_loop3A_893 : vector<16xf32> to vector<1x1x16xf32>
          tpu.vector_store %arg9[%parallel_loop3A_895, %parallel_loop3A_896, %parallel_loop3A_897], %parallel_loop3A_900 {strides = array<i32>} : memref<2x16x1024xf32, #tpu.memory_space<vmem>>, vector<1x1x16xf32>,
        } {sc.loop_unroll_factor = 8 : i64, sc.parallel_access}
      } {sc.loop_unroll_factor = 1 : i64, sc.parallel_access}
      %dma_start3A_790 = arith.constant 0 : i32
      %dma_start3A_791 = arith.constant 0 : i32
      %dma_start3A_792 = arith.constant 0 : i32
      %dma_start3A_793 = arith.constant 0 : i32
      %dma_start3A_794 = tpu.memref_slice %arg9[%dma_start3A_790, %dma_start3A_792, %dma_start3A_793] : memref<2x16x1024xf32, #tpu.memory_space<vmem>> -> memref<1x16x1024xf32, #tpu.memory_space<vmem>>
      %dma_start3A_795 = tpu.memref_squeeze %dma_start3A_794 : memref<1x16x1024xf32, #tpu.memory_space<vmem>> -> memref<16x1024xf32, #tpu.memory_space<vmem>>
      %dma_start3A_796 = arith.constant 0 : i32
      %dma_start3A_797 = tpu.memref_slice %arg5[%add3A_769, %dma_start3A_796] : memref<4096x1024xf32, #tpu.memory_space<hbm>> -> memref<16x1024xf32, #tpu.memory_space<hbm>>
      %dma_start3A_798 = tpu.memref_slice %arg12[%dma_start3A_791] : memref<2x!tpu.dma_semaphore, #tpu.memory_space<semaphore_mem>> -> memref<1x!tpu.dma_semaphore, #tpu.memory_space<semaphore_mem>>
      %dma_start3A_799 = tpu.memref_squeeze %dma_start3A_798 : memref<1x!tpu.dma_semaphore, #tpu.memory_space<semaphore_mem>> -> memref<!tpu.dma_semaphore, #tpu.memory_space<semaphore_mem>>
      %dma_start3A_800 = arith.constant 0 : i32
      %dma_start3A_801 = tpu.memref_slice %arg5[%add3A_769, %dma_start3A_800] : memref<4096x1024xf32, #tpu.memory_space<hbm>> -> memref<16x1024xf32, #tpu.memory_space<hbm>>
      %dma_start3A_802 = arith.constant 0 : i32
      %dma_start3A_803 = arith.constant 0 : i32
      %dma_start3A_804 = tpu.memref_slice %arg9[%dma_start3A_790, %dma_start3A_802, %dma_start3A_803] : memref<2x16x1024xf32, #tpu.memory_space<vmem>> -> memref<1x16x1024xf32, #tpu.memory_space<vmem>>
      %dma_start3A_805 = tpu.memref_squeeze %dma_start3A_804 : memref<1x16x1024xf32, #tpu.memory_space<vmem>> -> memref<16x1024xf32, #tpu.memory_space<vmem>>
      tpu.enqueue_dma source(%dma_start3A_805 : memref<16x1024xf32, #tpu.memory_space<vmem>>) target(%dma_start3A_801 : memref<16x1024xf32, #tpu.memory_space<hbm>>) target_semaphore(%dma_start3A_799 : memref<!tpu.dma_semaphore, #tpu.memory_space<semaphore_mem>>)
      %lt3A = arith.constant 3 : i32
      %lt3A_806 = arith.cmpi slt, %scan3A_762, %lt3A : i32
      %convert_element_type3A_807 = arith.extui %lt3A_806 : i1 to i32
      %cond3A_808 = arith.constant 0 : i32
      %cond3A_809 = arith.cmpi ne, %convert_element_type3A_807, %cond3A_808 : i32
      scf.if %cond3A_809 {
        %add3A_862 = arith.constant 32 : i32
        %add3A_863 = arith.addi %add3A_769, %add3A_862 : i32
        %dma_start3A_864 = arith.constant 0 : i32
        %dma_start3A_865 = arith.constant 0 : i32
        %dma_start3A_866 = arith.constant 0 : i32
        %dma_start3A_867 = arith.constant 0 : i32
        %dma_start3A_868 = tpu.memref_slice %arg8[%dma_start3A_864, %dma_start3A_866, %dma_start3A_867] : memref<2x16x1024xf32, #tpu.memory_space<vmem>> -> memref<1x16x1024xf32, #tpu.memory_space<vmem>>
        %dma_start3A_869 = tpu.memref_squeeze %dma_start3A_868 : memref<1x16x1024xf32, #tpu.memory_space<vmem>> -> memref<16x1024xf32, #tpu.memory_space<vmem>>
        %dma_start3A_870 = arith.constant 0 : i32
        %dma_start3A_871 = tpu.memref_slice %arg2[%add3A_863, %dma_start3A_870] : memref<4096x1024xf32, #tpu.memory_space<hbm>> -> memref<16x1024xf32, #tpu.memory_space<hbm>>
        %dma_start3A_872 = tpu.memref_slice %arg11[%dma_start3A_865] : memref<2x!tpu.dma_semaphore, #tpu.memory_space<semaphore_mem>> -> memref<1x!tpu.dma_semaphore, #tpu.memory_space<semaphore_mem>>
        %dma_start3A_873 = tpu.memref_squeeze %dma_start3A_872 : memref<1x!tpu.dma_semaphore, #tpu.memory_space<semaphore_mem>> -> memref<!tpu.dma_semaphore, #tpu.memory_space<semaphore_mem>>
        %dma_start3A_874 = arith.constant 0 : i32
        %dma_start3A_875 = arith.constant 0 : i32
        %dma_start3A_876 = tpu.memref_slice %arg8[%dma_start3A_864, %dma_start3A_874, %dma_start3A_875] : memref<2x16x1024xf32, #tpu.memory_space<vmem>> -> memref<1x16x1024xf32, #tpu.memory_space<vmem>>
        %dma_start3A_877 = tpu.memref_squeeze %dma_start3A_876 : memref<1x16x1024xf32, #tpu.memory_space<vmem>> -> memref<16x1024xf32, #tpu.memory_space<vmem>>
        %dma_start3A_878 = arith.constant 0 : i32
        %dma_start3A_879 = tpu.memref_slice %arg2[%add3A_863, %dma_start3A_878] : memref<4096x1024xf32, #tpu.memory_space<hbm>> -> memref<16x1024xf32, #tpu.memory_space<hbm>>
        tpu.enqueue_dma source(%dma_start3A_879 : memref<16x1024xf32, #tpu.memory_space<hbm>>) target(%dma_start3A_877 : memref<16x1024xf32, #tpu.memory_space<vmem>>) target_semaphore(%dma_start3A_873 : memref<!tpu.dma_semaphore, #tpu.memory_space<semaphore_mem>>)
      } else {
      }
      %mul3A_810 = arith.constant 2 : i32
      %mul3A_811 = arith.muli %mul3A_810, %scan3A_762 : i32
      %add3A_812 = arith.constant 1 : i32
      %add3A_813 = arith.addi %mul3A_811, %add3A_812 : i32
      %mul3A_814 = arith.constant 16 : i32
      %mul3A_815 = arith.muli %add3A_813, %mul3A_814 : i32
      %add3A_816 = arith.addi %mul3A_2, %mul3A_815 : i32
      %dma_wait3A_817 = arith.constant 1 : i32
      %dma_wait3A_818 = arith.constant 1 : i32
      %dma_wait3A_819 = arith.constant 0 : i32
      %dma_wait3A_820 = arith.constant 0 : i32
      %dma_wait3A_821 = tpu.memref_slice %arg8[%dma_wait3A_817, %dma_wait3A_819, %dma_wait3A_820] : memref<2x16x1024xf32, #tpu.memory_space<vmem>> -> memref<1x16x1024xf32, #tpu.memory_space<vmem>>
      %dma_wait3A_822 = tpu.memref_squeeze %dma_wait3A_821 : memref<1x16x1024xf32, #tpu.memory_space<vmem>> -> memref<16x1024xf32, #tpu.memory_space<vmem>>
      %dma_wait3A_823 = arith.constant 0 : i32
      %dma_wait3A_824 = tpu.memref_slice %arg2[%add3A_816, %dma_wait3A_823] : memref<4096x1024xf32, #tpu.memory_space<hbm>> -> memref<16x1024xf32, #tpu.memory_space<hbm>>
      %dma_wait3A_825 = tpu.memref_slice %arg11[%dma_wait3A_818] : memref<2x!tpu.dma_semaphore, #tpu.memory_space<semaphore_mem>> -> memref<1x!tpu.dma_semaphore, #tpu.memory_space<semaphore_mem>>
      %dma_wait3A_826 = tpu.memref_squeeze %dma_wait3A_825 : memref<1x!tpu.dma_semaphore, #tpu.memory_space<semaphore_mem>> -> memref<!tpu.dma_semaphore, #tpu.memory_space<semaphore_mem>>
      %dma_wait3A_827 = arith.constant 0 : i32
      %dma_wait3A_828 = arith.constant 0 : i32
      %dma_wait3A_829 = tpu.memref_slice %arg8[%dma_wait3A_817, %dma_wait3A_827, %dma_wait3A_828] : memref<2x16x1024xf32, #tpu.memory_space<vmem>> -> memref<1x16x1024xf32, #tpu.memory_space<vmem>>
      %dma_wait3A_830 = tpu.memref_squeeze %dma_wait3A_829 : memref<1x16x1024xf32, #tpu.memory_space<vmem>> -> memref<16x1024xf32, #tpu.memory_space<vmem>>
      %dma_wait3A_831 = arith.constant 0 : i32
      %dma_wait3A_832 = tpu.memref_slice %arg2[%add3A_816, %dma_wait3A_831] : memref<4096x1024xf32, #tpu.memory_space<hbm>> -> memref<16x1024xf32, #tpu.memory_space<hbm>>
      tpu.wait_dma2 semaphore(%dma_wait3A_826 : memref<!tpu.dma_semaphore, #tpu.memory_space<semaphore_mem>>) src(%dma_wait3A_832 : memref<16x1024xf32, #tpu.memory_space<hbm>>) dst(%dma_wait3A_830 : memref<16x1024xf32, #tpu.memory_space<vmem>>)
      %gt3A_833 = arith.constant 0 : i32
      %gt3A_834 = arith.cmpi sgt, %scan3A_762, %gt3A_833 : i32
      %convert_element_type3A_835 = arith.extui %gt3A_834 : i1 to i32
      %cond3A_836 = arith.constant 0 : i32
      %cond3A_837 = arith.cmpi ne, %convert_element_type3A_835, %cond3A_836 : i32
      scf.if %cond3A_837 {
        %sub3A = arith.constant 2 : i32
        %sub3A_862 = arith.subi %add3A_813, %sub3A : i32
        %mul3A_863 = arith.constant 16 : i32
        %mul3A_864 = arith.muli %sub3A_862, %mul3A_863 : i32
        %add3A_865 = arith.addi %mul3A_2, %mul3A_864 : i32
        %dma_wait3A_866 = arith.constant 1 : i32
        %dma_wait3A_867 = arith.constant 1 : i32
        %dma_wait3A_868 = arith.constant 0 : i32
        %dma_wait3A_869 = arith.constant 0 : i32
        %dma_wait3A_870 = tpu.memref_slice %arg9[%dma_wait3A_866, %dma_wait3A_868, %dma_wait3A_869] : memref<2x16x1024xf32, #tpu.memory_space<vmem>> -> memref<1x16x1024xf32, #tpu.memory_space<vmem>>
        %dma_wait3A_871 = tpu.memref_squeeze %dma_wait3A_870 : memref<1x16x1024xf32, #tpu.memory_space<vmem>> -> memref<16x1024xf32, #tpu.memory_space<vmem>>
        %dma_wait3A_872 = arith.constant 0 : i32
        %dma_wait3A_873 = tpu.memref_slice %arg5[%add3A_865, %dma_wait3A_872] : memref<4096x1024xf32, #tpu.memory_space<hbm>> -> memref<16x1024xf32, #tpu.memory_space<hbm>>
        %dma_wait3A_874 = tpu.memref_slice %arg12[%dma_wait3A_867] : memref<2x!tpu.dma_semaphore, #tpu.memory_space<semaphore_mem>> -> memref<1x!tpu.dma_semaphore, #tpu.memory_space<semaphore_mem>>
        %dma_wait3A_875 = tpu.memref_squeeze %dma_wait3A_874 : memref<1x!tpu.dma_semaphore, #tpu.memory_space<semaphore_mem>> -> memref<!tpu.dma_semaphore, #tpu.memory_space<semaphore_mem>>
        %dma_wait3A_876 = arith.constant 0 : i32
        %dma_wait3A_877 = tpu.memref_slice %arg5[%add3A_865, %dma_wait3A_876] : memref<4096x1024xf32, #tpu.memory_space<hbm>> -> memref<16x1024xf32, #tpu.memory_space<hbm>>
        %dma_wait3A_878 = arith.constant 0 : i32
        %dma_wait3A_879 = arith.constant 0 : i32
        %dma_wait3A_880 = tpu.memref_slice %arg9[%dma_wait3A_866, %dma_wait3A_878, %dma_wait3A_879] : memref<2x16x1024xf32, #tpu.memory_space<vmem>> -> memref<1x16x1024xf32, #tpu.memory_space<vmem>>
        %dma_wait3A_881 = tpu.memref_squeeze %dma_wait3A_880 : memref<1x16x1024xf32, #tpu.memory_space<vmem>> -> memref<16x1024xf32, #tpu.memory_space<vmem>>
        tpu.wait_dma2 semaphore(%dma_wait3A_875 : memref<!tpu.dma_semaphore, #tpu.memory_space<semaphore_mem>>) src(%dma_wait3A_881 : memref<16x1024xf32, #tpu.memory_space<vmem>>) dst(%dma_wait3A_877 : memref<16x1024xf32, #tpu.memory_space<hbm>>)
      } else {
      }
      %parallel_loop3A_838 = arith.constant 0 : i32
      %parallel_loop3A_839 = arith.constant 16 : i32
      %parallel_loop3A_840 = arith.constant 1 : i32
      scf.for %parallel_loop3A_862 = %parallel_loop3A_838 to %parallel_loop3A_839 step %parallel_loop3A_840  : i32 {
        %parallel_loop3A_863 = arith.constant 16 : i32
        %parallel_loop3A_864 = arith.muli %add3A_813, %parallel_loop3A_863 : i32
        %parallel_loop3A_865 = arith.addi %parallel_loop3A_864, %parallel_loop3A_862 : i32
        %parallel_loop3A_866 = arith.index_cast %parallel_loop3A_865 : i32 to index
        %parallel_loop3A_867 = memref.load %arg10[%parallel_loop3A_866] : memref<128xi32, #tpu.memory_space<smem>>
        %parallel_loop3A_868 = arith.constant 0 : i32
        %parallel_loop3A_869 = arith.constant 64 : i32
        %parallel_loop3A_870 = arith.constant 1 : i32
        scf.for %parallel_loop3A_871 = %parallel_loop3A_868 to %parallel_loop3A_869 step %parallel_loop3A_870  : i32 {
          %parallel_loop3A_872 = arith.constant 16 : i32
          %parallel_loop3A_873 = arith.muli %parallel_loop3A_871, %parallel_loop3A_872 : i32
          %parallel_loop3A_874 = arith.addi %parallel_loop3A_867, %parallel_loop3A_873 : i32
          %parallel_loop3A_875 = arith.index_cast %parallel_loop3A_874 : i32 to index
          %parallel_loop3A_876 = tpu.vector_load %arg7[%parallel_loop3A_875] {strides = array<i32>} : memref<4096xi32, #tpu.memory_space<vmem>>, vector<16xi32>,
          %parallel_loop3A_877 = vector.shape_cast %parallel_loop3A_876 : vector<16xi32> to vector<16xi32>
          %parallel_loop3A_878 = arith.constant -65536 : i32
          %parallel_loop3A_879 = vector.broadcast %parallel_loop3A_878 : i32 to vector<16xi32>
          %parallel_loop3A_880 = arith.andi %parallel_loop3A_877, %parallel_loop3A_879 : vector<16xi32>
          %parallel_loop3A_881 = tpu.bitcast %parallel_loop3A_880 : vector<16xi32> -> vector<16xf32>
          %parallel_loop3A_882 = arith.constant 16 : i32
          %parallel_loop3A_883 = vector.broadcast %parallel_loop3A_882 : i32 to vector<16xi32>
          %parallel_loop3A_884 = arith.shli %parallel_loop3A_877, %parallel_loop3A_883 : vector<16xi32>
          %parallel_loop3A_885 = tpu.bitcast %parallel_loop3A_884 : vector<16xi32> -> vector<16xf32>
          %parallel_loop3A_886 = arith.constant 1 : i32
          %parallel_loop3A_887 = arith.index_cast %parallel_loop3A_886 : i32 to index
          %parallel_loop3A_888 = arith.index_cast %parallel_loop3A_862 : i32 to index
          %parallel_loop3A_889 = arith.index_cast %parallel_loop3A_873 : i32 to index
          %parallel_loop3A_890 = tpu.vector_load %arg8[%parallel_loop3A_887, %parallel_loop3A_888, %parallel_loop3A_889] {strides = array<i32>} : memref<2x16x1024xf32, #tpu.memory_space<vmem>>, vector<1x1x16xf32>,
          %parallel_loop3A_891 = vector.shape_cast %parallel_loop3A_890 : vector<1x1x16xf32> to vector<16xf32>
          %parallel_loop3A_892 = arith.mulf %parallel_loop3A_891, %parallel_loop3A_881 : vector<16xf32>
          %parallel_loop3A_893 = arith.addf %parallel_loop3A_892, %parallel_loop3A_885 : vector<16xf32>
          %parallel_loop3A_894 = arith.constant 1 : i32
          %parallel_loop3A_895 = arith.index_cast %parallel_loop3A_894 : i32 to index
          %parallel_loop3A_896 = arith.index_cast %parallel_loop3A_862 : i32 to index
          %parallel_loop3A_897 = arith.index_cast %parallel_loop3A_873 : i32 to index
          %parallel_loop3A_898 = tpu.vector_load %arg9[%parallel_loop3A_895, %parallel_loop3A_896, %parallel_loop3A_897] {strides = array<i32>} : memref<2x16x1024xf32, #tpu.memory_space<vmem>>, vector<1x1x16xf32>,
          %parallel_loop3A_899 = vector.shape_cast %parallel_loop3A_898 : vector<1x1x16xf32> to vector<16xf32>
          %parallel_loop3A_900 = vector.shape_cast %parallel_loop3A_893 : vector<16xf32> to vector<1x1x16xf32>
          tpu.vector_store %arg9[%parallel_loop3A_895, %parallel_loop3A_896, %parallel_loop3A_897], %parallel_loop3A_900 {strides = array<i32>} : memref<2x16x1024xf32, #tpu.memory_space<vmem>>, vector<1x1x16xf32>,
        } {sc.loop_unroll_factor = 8 : i64, sc.parallel_access}
      } {sc.loop_unroll_factor = 1 : i64, sc.parallel_access}
      %dma_start3A_841 = arith.constant 1 : i32
      %dma_start3A_842 = arith.constant 1 : i32
      %dma_start3A_843 = arith.constant 0 : i32
      %dma_start3A_844 = arith.constant 0 : i32
      %dma_start3A_845 = tpu.memref_slice %arg9[%dma_start3A_841, %dma_start3A_843, %dma_start3A_844] : memref<2x16x1024xf32, #tpu.memory_space<vmem>> -> memref<1x16x1024xf32, #tpu.memory_space<vmem>>
      %dma_start3A_846 = tpu.memref_squeeze %dma_start3A_845 : memref<1x16x1024xf32, #tpu.memory_space<vmem>> -> memref<16x1024xf32, #tpu.memory_space<vmem>>
      %dma_start3A_847 = arith.constant 0 : i32
      %dma_start3A_848 = tpu.memref_slice %arg5[%add3A_816, %dma_start3A_847] : memref<4096x1024xf32, #tpu.memory_space<hbm>> -> memref<16x1024xf32, #tpu.memory_space<hbm>>
      %dma_start3A_849 = tpu.memref_slice %arg12[%dma_start3A_842] : memref<2x!tpu.dma_semaphore, #tpu.memory_space<semaphore_mem>> -> memref<1x!tpu.dma_semaphore, #tpu.memory_space<semaphore_mem>>
      %dma_start3A_850 = tpu.memref_squeeze %dma_start3A_849 : memref<1x!tpu.dma_semaphore, #tpu.memory_space<semaphore_mem>> -> memref<!tpu.dma_semaphore, #tpu.memory_space<semaphore_mem>>
      %dma_start3A_851 = arith.constant 0 : i32
      %dma_start3A_852 = tpu.memref_slice %arg5[%add3A_816, %dma_start3A_851] : memref<4096x1024xf32, #tpu.memory_space<hbm>> -> memref<16x1024xf32, #tpu.memory_space<hbm>>
      %dma_start3A_853 = arith.constant 0 : i32
      %dma_start3A_854 = arith.constant 0 : i32
      %dma_start3A_855 = tpu.memref_slice %arg9[%dma_start3A_841, %dma_start3A_853, %dma_start3A_854] : memref<2x16x1024xf32, #tpu.memory_space<vmem>> -> memref<1x16x1024xf32, #tpu.memory_space<vmem>>
      %dma_start3A_856 = tpu.memref_squeeze %dma_start3A_855 : memref<1x16x1024xf32, #tpu.memory_space<vmem>> -> memref<16x1024xf32, #tpu.memory_space<vmem>>
      tpu.enqueue_dma source(%dma_start3A_856 : memref<16x1024xf32, #tpu.memory_space<vmem>>) target(%dma_start3A_852 : memref<16x1024xf32, #tpu.memory_space<hbm>>) target_semaphore(%dma_start3A_850 : memref<!tpu.dma_semaphore, #tpu.memory_space<semaphore_mem>>)
      %lt3A_857 = arith.constant 3 : i32
      %lt3A_858 = arith.cmpi slt, %scan3A_762, %lt3A_857 : i32
      %convert_element_type3A_859 = arith.extui %lt3A_858 : i1 to i32
      %cond3A_860 = arith.constant 0 : i32
      %cond3A_861 = arith.cmpi ne, %convert_element_type3A_859, %cond3A_860 : i32
      scf.if %cond3A_861 {
        %add3A_862 = arith.constant 32 : i32
        %add3A_863 = arith.addi %add3A_816, %add3A_862 : i32
        %dma_start3A_864 = arith.constant 1 : i32
        %dma_start3A_865 = arith.constant 1 : i32
        %dma_start3A_866 = arith.constant 0 : i32
        %dma_start3A_867 = arith.constant 0 : i32
        %dma_start3A_868 = tpu.memref_slice %arg8[%dma_start3A_864, %dma_start3A_866, %dma_start3A_867] : memref<2x16x1024xf32, #tpu.memory_space<vmem>> -> memref<1x16x1024xf32, #tpu.memory_space<vmem>>
        %dma_start3A_869 = tpu.memref_squeeze %dma_start3A_868 : memref<1x16x1024xf32, #tpu.memory_space<vmem>> -> memref<16x1024xf32, #tpu.memory_space<vmem>>
        %dma_start3A_870 = arith.constant 0 : i32
        %dma_start3A_871 = tpu.memref_slice %arg2[%add3A_863, %dma_start3A_870] : memref<4096x1024xf32, #tpu.memory_space<hbm>> -> memref<16x1024xf32, #tpu.memory_space<hbm>>
        %dma_start3A_872 = tpu.memref_slice %arg11[%dma_start3A_865] : memref<2x!tpu.dma_semaphore, #tpu.memory_space<semaphore_mem>> -> memref<1x!tpu.dma_semaphore, #tpu.memory_space<semaphore_mem>>
        %dma_start3A_873 = tpu.memref_squeeze %dma_start3A_872 : memref<1x!tpu.dma_semaphore, #tpu.memory_space<semaphore_mem>> -> memref<!tpu.dma_semaphore, #tpu.memory_space<semaphore_mem>>
        %dma_start3A_874 = arith.constant 0 : i32
        %dma_start3A_875 = arith.constant 0 : i32
        %dma_start3A_876 = tpu.memref_slice %arg8[%dma_start3A_864, %dma_start3A_874, %dma_start3A_875] : memref<2x16x1024xf32, #tpu.memory_space<vmem>> -> memref<1x16x1024xf32, #tpu.memory_space<vmem>>
        %dma_start3A_877 = tpu.memref_squeeze %dma_start3A_876 : memref<1x16x1024xf32, #tpu.memory_space<vmem>> -> memref<16x1024xf32, #tpu.memory_space<vmem>>
        %dma_start3A_878 = arith.constant 0 : i32
        %dma_start3A_879 = tpu.memref_slice %arg2[%add3A_863, %dma_start3A_878] : memref<4096x1024xf32, #tpu.memory_space<hbm>> -> memref<16x1024xf32, #tpu.memory_space<hbm>>
        tpu.enqueue_dma source(%dma_start3A_879 : memref<16x1024xf32, #tpu.memory_space<hbm>>) target(%dma_start3A_877 : memref<16x1024xf32, #tpu.memory_space<vmem>>) target_semaphore(%dma_start3A_873 : memref<!tpu.dma_semaphore, #tpu.memory_space<semaphore_mem>>)
      } else {
      }
    }
    %scan3A_726 = arith.constant 4 : i32
    %add3A_727 = arith.constant 96 : i32
    %add3A_728 = arith.addi %mul3A_2, %add3A_727 : i32
    %dma_wait3A = arith.constant 0 : i32
    %dma_wait3A_729 = arith.constant 0 : i32
    %dma_wait3A_730 = arith.constant 0 : i32
    %dma_wait3A_731 = arith.constant 0 : i32
    %dma_wait3A_732 = tpu.memref_slice %arg9[%dma_wait3A, %dma_wait3A_730, %dma_wait3A_731] : memref<2x16x1024xf32, #tpu.memory_space<vmem>> -> memref<1x16x1024xf32, #tpu.memory_space<vmem>>
    %dma_wait3A_733 = tpu.memref_squeeze %dma_wait3A_732 : memref<1x16x1024xf32, #tpu.memory_space<vmem>> -> memref<16x1024xf32, #tpu.memory_space<vmem>>
    %dma_wait3A_734 = arith.constant 0 : i32
    %dma_wait3A_735 = tpu.memref_slice %arg5[%add3A_728, %dma_wait3A_734] : memref<4096x1024xf32, #tpu.memory_space<hbm>> -> memref<16x1024xf32, #tpu.memory_space<hbm>>
    %dma_wait3A_736 = tpu.memref_slice %arg12[%dma_wait3A_729] : memref<2x!tpu.dma_semaphore, #tpu.memory_space<semaphore_mem>> -> memref<1x!tpu.dma_semaphore, #tpu.memory_space<semaphore_mem>>
    %dma_wait3A_737 = tpu.memref_squeeze %dma_wait3A_736 : memref<1x!tpu.dma_semaphore, #tpu.memory_space<semaphore_mem>> -> memref<!tpu.dma_semaphore, #tpu.memory_space<semaphore_mem>>
    %dma_wait3A_738 = arith.constant 0 : i32
    %dma_wait3A_739 = tpu.memref_slice %arg5[%add3A_728, %dma_wait3A_738] : memref<4096x1024xf32, #tpu.memory_space<hbm>> -> memref<16x1024xf32, #tpu.memory_space<hbm>>
    %dma_wait3A_740 = arith.constant 0 : i32
    %dma_wait3A_741 = arith.constant 0 : i32
    %dma_wait3A_742 = tpu.memref_slice %arg9[%dma_wait3A, %dma_wait3A_740, %dma_wait3A_741] : memref<2x16x1024xf32, #tpu.memory_space<vmem>> -> memref<1x16x1024xf32, #tpu.memory_space<vmem>>
    %dma_wait3A_743 = tpu.memref_squeeze %dma_wait3A_742 : memref<1x16x1024xf32, #tpu.memory_space<vmem>> -> memref<16x1024xf32, #tpu.memory_space<vmem>>
    tpu.wait_dma2 semaphore(%dma_wait3A_737 : memref<!tpu.dma_semaphore, #tpu.memory_space<semaphore_mem>>) src(%dma_wait3A_743 : memref<16x1024xf32, #tpu.memory_space<vmem>>) dst(%dma_wait3A_739 : memref<16x1024xf32, #tpu.memory_space<hbm>>)
    %add3A_744 = arith.constant 112 : i32
    %add3A_745 = arith.addi %mul3A_2, %add3A_744 : i32
    %dma_wait3A_746 = arith.constant 1 : i32
    %dma_wait3A_747 = arith.constant 1 : i32
    %dma_wait3A_748 = arith.constant 0 : i32
    %dma_wait3A_749 = arith.constant 0 : i32
    %dma_wait3A_750 = tpu.memref_slice %arg9[%dma_wait3A_746, %dma_wait3A_748, %dma_wait3A_749] : memref<2x16x1024xf32, #tpu.memory_space<vmem>> -> memref<1x16x1024xf32, #tpu.memory_space<vmem>>
    %dma_wait3A_751 = tpu.memref_squeeze %dma_wait3A_750 : memref<1x16x1024xf32, #tpu.memory_space<vmem>> -> memref<16x1024xf32, #tpu.memory_space<vmem>>
    %dma_wait3A_752 = arith.constant 0 : i32
    %dma_wait3A_753 = tpu.memref_slice %arg5[%add3A_745, %dma_wait3A_752] : memref<4096x1024xf32, #tpu.memory_space<hbm>> -> memref<16x1024xf32, #tpu.memory_space<hbm>>
    %dma_wait3A_754 = tpu.memref_slice %arg12[%dma_wait3A_747] : memref<2x!tpu.dma_semaphore, #tpu.memory_space<semaphore_mem>> -> memref<1x!tpu.dma_semaphore, #tpu.memory_space<semaphore_mem>>
    %dma_wait3A_755 = tpu.memref_squeeze %dma_wait3A_754 : memref<1x!tpu.dma_semaphore, #tpu.memory_space<semaphore_mem>> -> memref<!tpu.dma_semaphore, #tpu.memory_space<semaphore_mem>>
    %dma_wait3A_756 = arith.constant 0 : i32
    %dma_wait3A_757 = tpu.memref_slice %arg5[%add3A_745, %dma_wait3A_756] : memref<4096x1024xf32, #tpu.memory_space<hbm>> -> memref<16x1024xf32, #tpu.memory_space<hbm>>
    %dma_wait3A_758 = arith.constant 0 : i32
    %dma_wait3A_759 = arith.constant 0 : i32
    %dma_wait3A_760 = tpu.memref_slice %arg9[%dma_wait3A_746, %dma_wait3A_758, %dma_wait3A_759] : memref<2x16x1024xf32, #tpu.memory_space<vmem>> -> memref<1x16x1024xf32, #tpu.memory_space<vmem>>
    %dma_wait3A_761 = tpu.memref_squeeze %dma_wait3A_760 : memref<1x16x1024xf32, #tpu.memory_space<vmem>> -> memref<16x1024xf32, #tpu.memory_space<vmem>>
    tpu.wait_dma2 semaphore(%dma_wait3A_755 : memref<!tpu.dma_semaphore, #tpu.memory_space<semaphore_mem>>) src(%dma_wait3A_761 : memref<16x1024xf32, #tpu.memory_space<vmem>>) dst(%dma_wait3A_757 : memref<16x1024xf32, #tpu.memory_space<hbm>>)
    return
  }
}

module attributes {stable_mosaic.version = 14 : i64} {
  func.func @_tables_body(%arg0: memref<1xf32, #tpu.memory_space<smem>>, %arg1: memref<1xf32, #tpu.memory_space<smem>>, %arg2: memref<4xf32, #tpu.memory_space<smem>>, %arg3: memref<4xf32, #tpu.memory_space<smem>>, %arg4: memref<4x1024xf32, #tpu.memory_space<vmem>>, %arg5: memref<4x1024xf32, #tpu.memory_space<vmem>>, %arg6: memref<4096xi32, #tpu.memory_space<vmem>>) attributes {dimension_semantics = [], scalar_prefetch = 0 : i64, scratch_operands = 0 : i64, tpu.core_type = #tpu.core_type<tc>} {
    %get3A = arith.constant 0 : index
    %get3A_0 = memref.load %arg0[%get3A] : memref<1xf32, #tpu.memory_space<smem>>
    %get3A_1 = arith.constant 0 : index
    %get3A_2 = memref.load %arg2[%get3A_1] : memref<4xf32, #tpu.memory_space<smem>>
    %mul3A = arith.mulf %get3A_0, %get3A_2 : f32
    %get3A_3 = arith.constant 0 : index
    %get3A_4 = arith.constant 0 : index
    %get3A_5 = vector.load %arg5[%get3A_3, %get3A_4] : memref<4x1024xf32, #tpu.memory_space<vmem>>, vector<1x1024xf32>
    %get3A_6 = vector.shape_cast %get3A_5 : vector<1x1024xf32> to vector<1024xf32>
    %add3A = arith.constant 1.000000e-03 : f32
    %add3A_7 = vector.broadcast %add3A : f32 to vector<1024xf32>
    %add3A_8 = arith.addf %get3A_6, %add3A_7 : vector<1024xf32>
    %rsqrt3A = math.rsqrt %add3A_8 : vector<1024xf32>
    %mul3A_9 = vector.broadcast %mul3A : f32 to vector<1024xf32>
    %mul3A_10 = arith.mulf %mul3A_9, %rsqrt3A : vector<1024xf32>
    %get3A_11 = arith.constant 0 : index
    %get3A_12 = memref.load %arg1[%get3A_11] : memref<1xf32, #tpu.memory_space<smem>>
    %get3A_13 = arith.constant 0 : index
    %get3A_14 = memref.load %arg3[%get3A_13] : memref<4xf32, #tpu.memory_space<smem>>
    %add3A_15 = arith.addf %get3A_12, %get3A_14 : f32
    %get3A_16 = arith.constant 0 : index
    %get3A_17 = arith.constant 0 : index
    %get3A_18 = vector.load %arg4[%get3A_16, %get3A_17] : memref<4x1024xf32, #tpu.memory_space<vmem>>, vector<1x1024xf32>
    %get3A_19 = vector.shape_cast %get3A_18 : vector<1x1024xf32> to vector<1024xf32>
    %mul3A_20 = arith.mulf %mul3A_10, %get3A_19 : vector<1024xf32>
    %sub3A = vector.broadcast %add3A_15 : f32 to vector<1024xf32>
    %sub3A_21 = arith.subf %sub3A, %mul3A_20 : vector<1024xf32>
    %bitcast_convert_type3A = tpu.bitcast %mul3A_10 : vector<1024xf32> -> vector<1024xi32>
    %bitcast_convert_type3A_22 = tpu.bitcast %sub3A_21 : vector<1024xf32> -> vector<1024xi32>
    %add3A_23 = arith.constant 32768 : i32
    %add3A_24 = vector.broadcast %add3A_23 : i32 to vector<1024xi32>
    %add3A_25 = arith.addi %bitcast_convert_type3A, %add3A_24 : vector<1024xi32>
    %and3A = arith.constant -65536 : i32
    %and3A_26 = vector.broadcast %and3A : i32 to vector<1024xi32>
    %and3A_27 = arith.andi %add3A_25, %and3A_26 : vector<1024xi32>
    %add3A_28 = arith.constant 32768 : i32
    %add3A_29 = vector.broadcast %add3A_28 : i32 to vector<1024xi32>
    %add3A_30 = arith.addi %bitcast_convert_type3A_22, %add3A_29 : vector<1024xi32>
    %shift_right_logical3A = arith.constant 16 : i32
    %shift_right_logical3A_31 = vector.broadcast %shift_right_logical3A : i32 to vector<1024xi32>
    %shift_right_logical3A_32 = arith.shrui %add3A_30, %shift_right_logical3A_31 : vector<1024xi32>
    %or3A = arith.ori %and3A_27, %shift_right_logical3A_32 : vector<1024xi32>
    %swap3A = arith.constant 0 : index
    %swap3A_33 = vector.load %arg6[%swap3A] : memref<4096xi32, #tpu.memory_space<vmem>>, vector<1024xi32>
    tpu.vector_store %arg6[%swap3A], %or3A {strides = array<i32>} : memref<4096xi32, #tpu.memory_space<vmem>>, vector<1024xi32>,
    %get3A_34 = arith.constant 0 : index
    %get3A_35 = memref.load %arg0[%get3A_34] : memref<1xf32, #tpu.memory_space<smem>>
    %get3A_36 = arith.constant 1 : index
    %get3A_37 = memref.load %arg2[%get3A_36] : memref<4xf32, #tpu.memory_space<smem>>
    %mul3A_38 = arith.mulf %get3A_35, %get3A_37 : f32
    %get3A_39 = arith.constant 1 : index
    %get3A_40 = arith.constant 0 : index
    %get3A_41 = vector.load %arg5[%get3A_39, %get3A_40] : memref<4x1024xf32, #tpu.memory_space<vmem>>, vector<1x1024xf32>
    %get3A_42 = vector.shape_cast %get3A_41 : vector<1x1024xf32> to vector<1024xf32>
    %add3A_43 = arith.constant 1.000000e-03 : f32
    %add3A_44 = vector.broadcast %add3A_43 : f32 to vector<1024xf32>
    %add3A_45 = arith.addf %get3A_42, %add3A_44 : vector<1024xf32>
    %rsqrt3A_46 = math.rsqrt %add3A_45 : vector<1024xf32>
    %mul3A_47 = vector.broadcast %mul3A_38 : f32 to vector<1024xf32>
    %mul3A_48 = arith.mulf %mul3A_47, %rsqrt3A_46 : vector<1024xf32>
    %get3A_49 = arith.constant 0 : index
    %get3A_50 = memref.load %arg1[%get3A_49] : memref<1xf32, #tpu.memory_space<smem>>
    %get3A_51 = arith.constant 1 : index
    %get3A_52 = memref.load %arg3[%get3A_51] : memref<4xf32, #tpu.memory_space<smem>>
    %add3A_53 = arith.addf %get3A_50, %get3A_52 : f32
    %get3A_54 = arith.constant 1 : index
    %get3A_55 = arith.constant 0 : index
    %get3A_56 = vector.load %arg4[%get3A_54, %get3A_55] : memref<4x1024xf32, #tpu.memory_space<vmem>>, vector<1x1024xf32>
    %get3A_57 = vector.shape_cast %get3A_56 : vector<1x1024xf32> to vector<1024xf32>
    %mul3A_58 = arith.mulf %mul3A_48, %get3A_57 : vector<1024xf32>
    %sub3A_59 = vector.broadcast %add3A_53 : f32 to vector<1024xf32>
    %sub3A_60 = arith.subf %sub3A_59, %mul3A_58 : vector<1024xf32>
    %bitcast_convert_type3A_61 = tpu.bitcast %mul3A_48 : vector<1024xf32> -> vector<1024xi32>
    %bitcast_convert_type3A_62 = tpu.bitcast %sub3A_60 : vector<1024xf32> -> vector<1024xi32>
    %add3A_63 = arith.constant 32768 : i32
    %add3A_64 = vector.broadcast %add3A_63 : i32 to vector<1024xi32>
    %add3A_65 = arith.addi %bitcast_convert_type3A_61, %add3A_64 : vector<1024xi32>
    %and3A_66 = arith.constant -65536 : i32
    %and3A_67 = vector.broadcast %and3A_66 : i32 to vector<1024xi32>
    %and3A_68 = arith.andi %add3A_65, %and3A_67 : vector<1024xi32>
    %add3A_69 = arith.constant 32768 : i32
    %add3A_70 = vector.broadcast %add3A_69 : i32 to vector<1024xi32>
    %add3A_71 = arith.addi %bitcast_convert_type3A_62, %add3A_70 : vector<1024xi32>
    %shift_right_logical3A_72 = arith.constant 16 : i32
    %shift_right_logical3A_73 = vector.broadcast %shift_right_logical3A_72 : i32 to vector<1024xi32>
    %shift_right_logical3A_74 = arith.shrui %add3A_71, %shift_right_logical3A_73 : vector<1024xi32>
    %or3A_75 = arith.ori %and3A_68, %shift_right_logical3A_74 : vector<1024xi32>
    %swap3A_76 = arith.constant 1024 : index
    %swap3A_77 = vector.load %arg6[%swap3A_76] : memref<4096xi32, #tpu.memory_space<vmem>>, vector<1024xi32>
    tpu.vector_store %arg6[%swap3A_76], %or3A_75 {strides = array<i32>} : memref<4096xi32, #tpu.memory_space<vmem>>, vector<1024xi32>,
    %get3A_78 = arith.constant 0 : index
    %get3A_79 = memref.load %arg0[%get3A_78] : memref<1xf32, #tpu.memory_space<smem>>
    %get3A_80 = arith.constant 2 : index
    %get3A_81 = memref.load %arg2[%get3A_80] : memref<4xf32, #tpu.memory_space<smem>>
    %mul3A_82 = arith.mulf %get3A_79, %get3A_81 : f32
    %get3A_83 = arith.constant 2 : index
    %get3A_84 = arith.constant 0 : index
    %get3A_85 = vector.load %arg5[%get3A_83, %get3A_84] : memref<4x1024xf32, #tpu.memory_space<vmem>>, vector<1x1024xf32>
    %get3A_86 = vector.shape_cast %get3A_85 : vector<1x1024xf32> to vector<1024xf32>
    %add3A_87 = arith.constant 1.000000e-03 : f32
    %add3A_88 = vector.broadcast %add3A_87 : f32 to vector<1024xf32>
    %add3A_89 = arith.addf %get3A_86, %add3A_88 : vector<1024xf32>
    %rsqrt3A_90 = math.rsqrt %add3A_89 : vector<1024xf32>
    %mul3A_91 = vector.broadcast %mul3A_82 : f32 to vector<1024xf32>
    %mul3A_92 = arith.mulf %mul3A_91, %rsqrt3A_90 : vector<1024xf32>
    %get3A_93 = arith.constant 0 : index
    %get3A_94 = memref.load %arg1[%get3A_93] : memref<1xf32, #tpu.memory_space<smem>>
    %get3A_95 = arith.constant 2 : index
    %get3A_96 = memref.load %arg3[%get3A_95] : memref<4xf32, #tpu.memory_space<smem>>
    %add3A_97 = arith.addf %get3A_94, %get3A_96 : f32
    %get3A_98 = arith.constant 2 : index
    %get3A_99 = arith.constant 0 : index
    %get3A_100 = vector.load %arg4[%get3A_98, %get3A_99] : memref<4x1024xf32, #tpu.memory_space<vmem>>, vector<1x1024xf32>
    %get3A_101 = vector.shape_cast %get3A_100 : vector<1x1024xf32> to vector<1024xf32>
    %mul3A_102 = arith.mulf %mul3A_92, %get3A_101 : vector<1024xf32>
    %sub3A_103 = vector.broadcast %add3A_97 : f32 to vector<1024xf32>
    %sub3A_104 = arith.subf %sub3A_103, %mul3A_102 : vector<1024xf32>
    %bitcast_convert_type3A_105 = tpu.bitcast %mul3A_92 : vector<1024xf32> -> vector<1024xi32>
    %bitcast_convert_type3A_106 = tpu.bitcast %sub3A_104 : vector<1024xf32> -> vector<1024xi32>
    %add3A_107 = arith.constant 32768 : i32
    %add3A_108 = vector.broadcast %add3A_107 : i32 to vector<1024xi32>
    %add3A_109 = arith.addi %bitcast_convert_type3A_105, %add3A_108 : vector<1024xi32>
    %and3A_110 = arith.constant -65536 : i32
    %and3A_111 = vector.broadcast %and3A_110 : i32 to vector<1024xi32>
    %and3A_112 = arith.andi %add3A_109, %and3A_111 : vector<1024xi32>
    %add3A_113 = arith.constant 32768 : i32
    %add3A_114 = vector.broadcast %add3A_113 : i32 to vector<1024xi32>
    %add3A_115 = arith.addi %bitcast_convert_type3A_106, %add3A_114 : vector<1024xi32>
    %shift_right_logical3A_116 = arith.constant 16 : i32
    %shift_right_logical3A_117 = vector.broadcast %shift_right_logical3A_116 : i32 to vector<1024xi32>
    %shift_right_logical3A_118 = arith.shrui %add3A_115, %shift_right_logical3A_117 : vector<1024xi32>
    %or3A_119 = arith.ori %and3A_112, %shift_right_logical3A_118 : vector<1024xi32>
    %swap3A_120 = arith.constant 2048 : index
    %swap3A_121 = vector.load %arg6[%swap3A_120] : memref<4096xi32, #tpu.memory_space<vmem>>, vector<1024xi32>
    tpu.vector_store %arg6[%swap3A_120], %or3A_119 {strides = array<i32>} : memref<4096xi32, #tpu.memory_space<vmem>>, vector<1024xi32>,
    %get3A_122 = arith.constant 0 : index
    %get3A_123 = memref.load %arg0[%get3A_122] : memref<1xf32, #tpu.memory_space<smem>>
    %get3A_124 = arith.constant 3 : index
    %get3A_125 = memref.load %arg2[%get3A_124] : memref<4xf32, #tpu.memory_space<smem>>
    %mul3A_126 = arith.mulf %get3A_123, %get3A_125 : f32
    %get3A_127 = arith.constant 3 : index
    %get3A_128 = arith.constant 0 : index
    %get3A_129 = vector.load %arg5[%get3A_127, %get3A_128] : memref<4x1024xf32, #tpu.memory_space<vmem>>, vector<1x1024xf32>
    %get3A_130 = vector.shape_cast %get3A_129 : vector<1x1024xf32> to vector<1024xf32>
    %add3A_131 = arith.constant 1.000000e-03 : f32
    %add3A_132 = vector.broadcast %add3A_131 : f32 to vector<1024xf32>
    %add3A_133 = arith.addf %get3A_130, %add3A_132 : vector<1024xf32>
    %rsqrt3A_134 = math.rsqrt %add3A_133 : vector<1024xf32>
    %mul3A_135 = vector.broadcast %mul3A_126 : f32 to vector<1024xf32>
    %mul3A_136 = arith.mulf %mul3A_135, %rsqrt3A_134 : vector<1024xf32>
    %get3A_137 = arith.constant 0 : index
    %get3A_138 = memref.load %arg1[%get3A_137] : memref<1xf32, #tpu.memory_space<smem>>
    %get3A_139 = arith.constant 3 : index
    %get3A_140 = memref.load %arg3[%get3A_139] : memref<4xf32, #tpu.memory_space<smem>>
    %add3A_141 = arith.addf %get3A_138, %get3A_140 : f32
    %get3A_142 = arith.constant 3 : index
    %get3A_143 = arith.constant 0 : index
    %get3A_144 = vector.load %arg4[%get3A_142, %get3A_143] : memref<4x1024xf32, #tpu.memory_space<vmem>>, vector<1x1024xf32>
    %get3A_145 = vector.shape_cast %get3A_144 : vector<1x1024xf32> to vector<1024xf32>
    %mul3A_146 = arith.mulf %mul3A_136, %get3A_145 : vector<1024xf32>
    %sub3A_147 = vector.broadcast %add3A_141 : f32 to vector<1024xf32>
    %sub3A_148 = arith.subf %sub3A_147, %mul3A_146 : vector<1024xf32>
    %bitcast_convert_type3A_149 = tpu.bitcast %mul3A_136 : vector<1024xf32> -> vector<1024xi32>
    %bitcast_convert_type3A_150 = tpu.bitcast %sub3A_148 : vector<1024xf32> -> vector<1024xi32>
    %add3A_151 = arith.constant 32768 : i32
    %add3A_152 = vector.broadcast %add3A_151 : i32 to vector<1024xi32>
    %add3A_153 = arith.addi %bitcast_convert_type3A_149, %add3A_152 : vector<1024xi32>
    %and3A_154 = arith.constant -65536 : i32
    %and3A_155 = vector.broadcast %and3A_154 : i32 to vector<1024xi32>
    %and3A_156 = arith.andi %add3A_153, %and3A_155 : vector<1024xi32>
    %add3A_157 = arith.constant 32768 : i32
    %add3A_158 = vector.broadcast %add3A_157 : i32 to vector<1024xi32>
    %add3A_159 = arith.addi %bitcast_convert_type3A_150, %add3A_158 : vector<1024xi32>
    %shift_right_logical3A_160 = arith.constant 16 : i32
    %shift_right_logical3A_161 = vector.broadcast %shift_right_logical3A_160 : i32 to vector<1024xi32>
    %shift_right_logical3A_162 = arith.shrui %add3A_159, %shift_right_logical3A_161 : vector<1024xi32>
    %or3A_163 = arith.ori %and3A_156, %shift_right_logical3A_162 : vector<1024xi32>
    %swap3A_164 = arith.constant 3072 : index
    %swap3A_165 = vector.load %arg6[%swap3A_164] : memref<4096xi32, #tpu.memory_space<vmem>>, vector<1024xi32>
    tpu.vector_store %arg6[%swap3A_164], %or3A_163 {strides = array<i32>} : memref<4096xi32, #tpu.memory_space<vmem>>, vector<1024xi32>,
    return
  }
}

</mosaic_0001>

<sc_bundles>
// kernel: kernel.4.cloned.1.call-start
scs
__scs_entry_jumppad:
0x0: {  	(pc) =	sbr.rel $0x88, $3  }
0x1: {  	(tag) =	ssettag $0x0;
	lr =	simm.s32 $0x1  }
0x2: {  	[smem:$0x3F99] =	sst lr;
	_ =	strace $0xD0000000  }
0x3: {  	_ = 	snop  }
0x4: {  	_ = 	snop  }
0x5: {  	_ = 	snop  }
0x6: {  	_ = 	snop  }
0x7: {  	_ = 	snop  }
__scs_overlays_trampoline_lowered:
0x8: {  	[smem:$0x3FA8] =	sst s0  }
0x9: {  	[smem:$0x3FA9] =	sst s1  }
0xa: {  	[smem:$0x3FAA] =	sst s2  }
0xb: {  	[smem:$0x3FAB] =	sst s3  }
0xc: {  	[smem:$0x3FAC] =	sst s4  }
0xd: {  	[smem:$0x3FAD] =	sst s5  }
0xe: {  	[smem:$0x3FAE] =	sst s6  }
0xf: {  	[smem:$0x3FAF] =	sst s7  }
0x10: {  	[smem:$0x3FB0] =	sst s8  }
0x11: {  	[smem:$0x3FB1] =	sst s9;
	s0 =	simm.s32 @!p0 $0x0  }
0x12: {  	s1 =	sld [smem:$0x3F97];
	s0 =	simm.s32 @p0 $0x1  }
0x13: {  	[smem:$0x3FB2] =	sst s0;
	s0 =	simm.s32 @!p1 $0x0  }
0x14: {  	s2 =	sld [smem:$0x3F96];
	s0 =	simm.s32 @p1 $0x1  }
0x15: {  	[smem:$0x3FB3] =	sst s0;
	s0 =	simm.s32 @!p2 $0x0  }
0x16: {  	s3 =	sld [smem:$0x3FDB];
	s0 =	simm.s32 @p2 $0x1  }
0x17: {  	s4 =	simm.s32 $0x1BF5;
	[smem:$0x3FB5] =	sst s0  }
0x18: {  	s0 =	sld [smem:$0x3F98];
	_ =	swait.ge [sflag:s4], $0x0  }
0x19: {  	s7 =	sld [smem:$0x3F99]  }
0x1a: {  	s8 =	sadd.s32 $0xFFFFE003, lr  }
0x1b: {  	s9 =	sadd.s32 $0xFFFFFEF7, lr;
	s5 =	simm.s32 $0xFFFFFFFF;
	p2 =	slt.u32 s8, $0xFFFFF086  }
0x1c: {  	p1 =	slt.u32 s9, $0xF7A;
	s5 =	simm.s32 @!p2 $0x0  }
0x1d: {  	s5 =	simm.s32 @p1 $0x1;
	p0 =	seq.s32 s7, s2  }
0x1e: {  	s7 =	smul.u32 @!p0 $0xF7A, s2;
	p2 =	seq.s32 @!p0 s5, $0x0  }
0x1f: {  	s9 =	smul.u32 $0xF7A, s1;
	s8 =	simm.s32 @!p0 $0x1BF5;
	p2 =	por !p2, p0  }
0x20: {  	[sflag:s8] =	ssyncset.s32 @!p0 $0xFFFFF086;
	s6 =	sadd.s32 @!p0 s3, s7;
	s7 =	simm.s32 @!p0 $0x108  }
0x21: {  	s3 =	sadd.s32 s3, s9;
	s6 =	sadd.s32 @!p0 $0x88, s6;
	s7 =	simm.s32 @p2 $0x1082  }
0x22: {  	[simem:s7], [sflag:s8] =	dma.local @!p0 [hbm:s6], $0xF7A  }
0x23: {  	s9 =	sor.u32 $0xD0000000, s2;
	s6 =	simm.s32 $0x108;
	_ =	swait.ge @!p0 [sflag:s8], $0x0  }
0x24: {  	s3 =	sadd.s32 $0x88, s3;
	s6 =	simm.s32 @!p1 $0x1082;
	[sflag:s4] =	ssyncset.s32 $0xFFFFF086  }
0x25: {  	[simem:s6], [sflag:s4] =	dma.local [hbm:s3], $0xF7A  }
0x26: {  	[smem:$0x3F99] =	sst s1;
	(tag) =	ssettag s2;
	_ =	strace s9  }
0x27: {  	s1 =	sld [smem:$0x3FA9]  }
0x28: {  	s2 =	sld [smem:$0x3FAA]  }
0x29: {  	s4 =	sld [smem:$0x3FAC]  }
0x2a: {  	p0 =	seq.s32 s5, $0x0;
	s5 =	sld [smem:$0x3FAD]  }
0x2b: {  	s6 =	sld [smem:$0x3FAE]  }
0x2c: {  	s7 =	sld [smem:$0x3FAF]  }
0x2d: {  	s3 =	simm.s32 $0x108;
	s8 =	sld [smem:$0x3FB0]  }
0x2e: {  	s3 =	simm.s32 @!p0 $0x1082;
	s9 =	sld [smem:$0x3FB1]  }
0x2f: {  	lr =	sadd.s32 s0, s3;
	s0 =	sld [smem:$0x3FA8]  }
0x30: {  	s3 =	sld [smem:$0x3FAB]  }
0x31: {  	[smem:$0x3FB4] =	sst s10  }
0x32: {  	s10 =	sld [smem:$0x3FB2];
	_ =	sdelay $0x3  }
0x33: {  	p0 =	seq.s32 s10, $0x1;
	s10 =	sld [smem:$0x3FB4];
	_ =	sdelay $0x3  }
0x34: {  	[smem:$0x3FB4] =	sst s10  }
0x35: {  	s10 =	sld [smem:$0x3FB3];
	_ =	sdelay $0x3  }
0x36: {  	p1 =	seq.s32 s10, $0x1;
	s10 =	sld [smem:$0x3FB4];
	_ =	sdelay $0x3  }
0x37: {  	[smem:$0x3FB4] =	sst s10  }
0x38: {  	s10 =	sld [smem:$0x3FB5]  }
0x39: {  	_ = 	snop;
	(pc) =	sbr.ind lr, $3  }
0x3a: {  	_ = 	snop  }
0x3b: {  	_ = 	snop  }
0x3c: {  	p2 =	seq.s32 s10, $0x1;
	s10 =	sld [smem:$0x3FB4]  }
0x3d: {  	_ =	shalt  }
0x3e: {  	_ =	shalt  }
0x3f: {  	_ =	shalt  }
0x40: {  	_ =	shalt  }
0x41: {  	_ =	shalt  }
0x42: {  	_ =	shalt  }
0x43: {  	_ =	shalt  }
0x44: {  	_ =	shalt  }
0x45: {  	_ =	shalt  }
0x46: {  	_ =	shalt  }
0x47: {  	_ =	shalt  }
0x48: {  	_ =	shalt  }
0x49: {  	_ =	shalt  }
0x4a: {  	_ =	shalt  }
0x4b: {  	_ =	shalt  }
0x4c: {  	_ =	shalt  }
0x4d: {  	_ =	shalt  }
0x4e: {  	_ =	shalt  }
0x4f: {  	_ =	shalt  }
0x50: {  	_ =	shalt  }
0x51: {  	_ =	shalt  }
0x52: {  	_ =	shalt  }
0x53: {  	_ =	shalt  }
0x54: {  	_ =	shalt  }
0x55: {  	_ =	shalt  }
0x56: {  	_ =	shalt  }
0x57: {  	_ =	shalt  }
0x58: {  	_ =	shalt  }
0x59: {  	_ =	shalt  }
0x5a: {  	_ =	shalt  }
0x5b: {  	_ =	shalt  }
0x5c: {  	_ =	shalt  }
0x5d: {  	_ =	shalt  }
0x5e: {  	_ =	shalt  }
0x5f: {  	_ =	shalt  }
0x60: {  	_ =	shalt  }
0x61: {  	_ =	shalt  }
0x62: {  	_ =	shalt  }
0x63: {  	_ =	shalt  }
0x64: {  	_ =	shalt  }
0x65: {  	_ =	shalt  }
0x66: {  	_ =	shalt  }
0x67: {  	_ =	shalt  }
0x68: {  	_ =	shalt  }
0x69: {  	_ =	shalt  }
0x6a: {  	_ =	shalt  }
0x6b: {  	_ =	shalt  }
0x6c: {  	_ =	shalt  }
0x6d: {  	_ =	shalt  }
0x6e: {  	_ =	shalt  }
0x6f: {  	_ =	shalt  }
0x70: {  	_ =	shalt  }
0x71: {  	_ =	shalt  }
0x72: {  	_ =	shalt  }
0x73: {  	_ =	shalt  }
0x74: {  	_ =	shalt  }
0x75: {  	_ =	shalt  }
0x76: {  	_ =	shalt  }
0x77: {  	_ =	shalt  }
0x78: {  	_ =	shalt  }
0x79: {  	_ =	shalt  }
0x7a: {  	_ =	shalt  }
0x7b: {  	_ =	shalt  }
0x7c: {  	_ =	shalt  }
0x7d: {  	_ =	shalt  }
0x7e: {  	_ =	shalt  }
0x7f: {  	_ =	shalt  }
0x80: {  	_ =	shalt  }
0x81: {  	_ =	shalt  }
0x82: {  	_ =	shalt  }
0x83: {  	_ =	shalt  }
0x84: {  	_ =	shalt  }
0x85: {  	_ =	shalt  }
0x86: {  	_ =	shalt  }
0x87: {  	_ =	shalt  }
.Lfunc_end0:
.L_simem_size_0:
called_computation_lowered:
.L_overlay_start_0:
0x88: {  	s2 =	sld [smem:$0x3FD9]  }
0x89: {  	s3 =	sld [smem:$0x3FFE];
	_ =	sdelay $0x1  }
0x8a: {  	s1 =	srdreg.scid  }
0x8b: {  	s0 =	sand.u32 $0x1, s1  }
0x8c: {  	s17 =	sshll.u32 s0, $0xA;
	s2 =	sadd.s32 s3, s2  }
0x8d: {  	s2 =	sadd.s32 s2, s17  }
0x8e: {  	[smem:$0x3FC0] =	sst s2  }
0x8f: {  	_ = 	snop  }
0x90: {  	s2 =	sld [smem:$0x3FC9]  }
0x91: {  	s18 =	sld [smem:$0x3FC8]  }
0x92: {  	s4 =	sld [smem:$0x3FD0];
	(tm) =	ssettm $0x1  }
0x93: {  	s5 =	sld [smem:$0x3FFB];
	_ =	sdelay $0x3  }
0x94: {  	_ =	strace s5  }
0x95: {  	s5 =	sld [smem:$0x3FFC];
	_ =	sdelay $0x3  }
0x96: {  	_ =	strace s5  }
0x97: {  	s5 =	sld [smem:$0x3FFD];
	_ =	sdelay $0x3  }
0x98: {  	_ =	strace s5  }
0x99: {  	_ =	strace $0x8FFFFFFF  }
0x9a: {  	s19 =	sld [smem:$0x3FDB];
	_ =	sdelay $0x1  }
0x9b: {  	s6 =	simm.s32 $_scs_section_size  }
0x9c: {  	s7 =	simm.s32 $_size__tile_overlayer_lowered;
	s8 =	simm.s32 $_tile_overlayer_lowered  }
0x9d: {  	s22 =	simm.s32 $0x1BFF;
	s21 =	sshll.u32 s8, $0x1;
	s5 =	sadd.s32 s6, s19  }
0x9e: {  	s9 =	simm.s32 $0x0;
	s20 =	sshll.u32 s7, $0x1;
	s7 =	sadd.s32 s21, s5  }
0x9f: {  	[timem:s9], [sflag:s22] =	dma.local [hbm:s7], s20  }
0xa0: {  	_ =	swait.ge [sflag:s22], s20  }
0xa1: {  	s6 =	ssub.s32 $0x0, s20;
	[sflag:s22] =	ssyncset.done $0x0  }
0xa2: {  	[sflag:s22] =	ssyncadd.s32 s6;
	_ =	sdelay $0x1  }
0xa3: {  	s23 =	simm.s32 $0x1B8B  }
0xa4: {  	_ =	swait.ge [sflag:s23], $0x1  }
0xa5: {  	[sflag:s23] =	ssyncset.done $0x0  }
0xa6: {  	s25 =	simm.s32 $0x1B8E;
	s24 =	sld [smem:$0x3FFE];
	[sflag:s23] =	ssyncadd.s32 $0xFFFFFFFF  }
0xa7: {  	s26 =	simm.s32 $execute0_lowered;
	[smem:$0x3FD2] =	sst s25  }
0xa8: {  	s7 =	sshll.u32 s26, $0x1;
	_ =	strace $0x80000046;
	[dreg:$0x1] =	wrdreg $0xFFFFFFFF  }
0xa9: {  	s28 =	simm.s32 $_size_execute0_lowered;
	s5 =	sadd.s32 s5, s7;
	[dreg:$0x0] =	wrdreg $0x0  }
0xaa: {  	s7 =	sshll.u32 s28, $0x1;
	[dreg:$0x2] =	wrdreg s5  }
0xab: {  	[dreg:$0x3] =	wrdreg s7  }
0xac: {  	[dreg:$0x4] =	wrdreg $0xC0  }
0xad: {  	_ =	task [dreg:s9], $0x5FFFF  }
0xae: {  	[dreg:$0x1] =	wrdreg $0xFFFFFFFF  }
0xaf: {  	[dreg:$0x0] =	wrdreg $0x60  }
0xb0: {  	[dreg:$0x2] =	wrdreg s2  }
0xb1: {  	[dreg:$0x3] =	wrdreg s18  }
0xb2: {  	[dreg:$0x4] =	wrdreg s24  }
0xb3: {  	[dreg:$0x5] =	wrdreg s4  }
0xb4: {  	[dreg:$0x6] =	wrdreg $0x9  }
0xb5: {  	_ =	task.clear_ibuf [dreg:s9], $0x7FFFF;
	_ =	strace $0x90000046  }
0xb6: {  	s29 =	simm.s32 $0x9;
	_ =	strace $0x80000048  }
0xb7: {  	_ =	swait.ge [sflag:s29], $0x1  }
0xb8: {  	[sflag:s29] =	ssyncadd.s32 $0xFFFFFFFF  }
0xb9: {  	_ =	strace $0x90000048  }
0xba: {  	_ =	sfence  }
0xbb: {  	s30 =	sld [smem:$0x0];
	_ =	sdelay $0x2  }
0xbc: {  	s31 =	sshll.u32 s1, $0xD;
	s1 =	sshrl.u32 s1, $0x2  }
0xbd: {  	s3 =	sand.u32 $0x4000, s31;
	s1 =	sadd.s32 s1, s30  }
0xbe: {  	s0 =	sor.u32 s3, s0;
	s1 =	sshll.u32 s1, $0x11  }
0xbf: {  	s0 =	sor.u32 s1, s0  }
0xc0: {  	s0 =	sadd.s32 $0x8F2B, s0  }
0xc1: {  	[sflag:s0] =	ssyncadd.remote.s32 $0x1  }
0xc2: {  	_ =	sfence.sel $0xFFFF  }
0xc3: {  	[dreg:$0x0] =	wrdreg $0xFFFFFFFF;
	(pc) =	sbr.abs _section_cstart, $3  }
0xc4: {  	[dreg:$0x1] =	wrdreg $0xFFFFFFFF  }
0xc5: {  	_ =	task.clear_ibuf [dreg:s9], $0x2FFFF;
	_ =	strace $0x9FFFFFFF  }
0xc6: {  	(tm) =	ssettm $0x7FFFFFFF  }
0xc7: {  	_ =	shalt  }
tec
execute0_lowered:
.L_overlay_start_1:
0x0: {  	(tag) =	ssettag $0x1  }
0x1: {  	s0 =	rddreg [dreg:$0x0]  }
0x2: {  	s1 =	rddreg [dreg:$0x1]  }
0x3: {  	s5 =	rddreg [dreg:$0x2]  }
0x4: {  	s2 =	rddreg [dreg:$0x3];
	s4 =	srdreg.scid;
	s3 =	simm.s32 $0x0  }
0x5: {  	s6 =	stileid.u32;
	s11 =	simm.s32 $0x1080;
	s12 =	simm.s32 $0x5080  }
0x6: {  	s13 =	simm.s32 $0x5;
	s14 =	simm.s32 $0x80;
	s15 =	simm.s32 $0x1  }
0x7: {  	s16 =	simm.s32 $0x9080;
	s17 =	simm.s32 $0x2;
	s18 =	simm.s32 $0xD080  }
0x8: {  	s19 =	simm.s32 $0x3;
	s20 =	simm.s32 $0x4;
	s21 =	simm.s32 $0x0  }
0x9: {  	s4 =	sand.u32 $0x1, s4;
	[smem:$0x7FF] =	sst s3;
	s6 =	sshll.u32 s6, $0x8  }
.Ltmp0:
0xa: {  	s5 =	sadd.s32 $0xE00, s5;
	s7 =	sshll.u32 s4, $0x7;
	(pc) =	sbr.rel .LBB2_1-.Ltmp0, $4  }
0xb: {  	s9 =	sadd.s32 $0x1000, s0;
	s8 =	ssub.s32 $0x2, s4;
	s4 =	sor.u32 s7, s6  }
0xc: {  	_ =	strace $0x80000047;
	s30 =	sshrl.u32 s8, $0x1;
	s7 =	sshll.u32 s4, $0x7  }
0xd: {  	s10 =	ssub.s32 s8, s30;
	s31 =	sshrl.u32 s4, $0x3;
	s6 =	sadd.s32 s0, s7  }
0xe: {  	s8 =	sadd.s32 s1, s31;
	s10 =	smax.u32 s10, $0x1;
	s7 =	sadd.s32 $0x800, s6  }
.LBB2_12:
0xf: {  	s21 =	sadd.s32 $0x1, s21  }
0x10: {  	_ =	swait.ge [sflag:s19], $0x4000;
	p0 =	sne.s32 s21, s10  }
.Ltmp1:
0x11: {  	[sflag:s19] =	ssyncset.done $0x0;
	(pc) =	sbr.rel @!p0 .LBB2_13-.Ltmp1, $4  }
0x12: {  	[sflag:s19] =	ssyncadd.s32 $0xFFFFC000  }
0x13: {  	_ =	swait.ge [sflag:s20], $0x4000  }
0x14: {  	[sflag:s20] =	ssyncset.done $0x0  }
0x15: {  	[sflag:s20] =	ssyncadd.s32 $0xFFFFC000  }
.LBB2_1:
0x16: {  	[tilespmem:s11], [sflag:$0x1] =	stream.linear.gather [hbm4b:s6+s3], $0x4000, $0x38;
	[tilespmem:$0x11080] =	vst v63  }
0x17: {  	_ = 	snop  }
0x18: {  	[tilespmem:s12], [sflag:$0x2] =	stream.linear.gather [hbm4b:s7+s3], $0x4000, $0x38;
	[tilespmem:$0x11080] =	vst v63  }
0x19: {  	_ = 	snop  }
0x1a: {  	[tilespmem:s3], [sflag:$0x5] =	stream.linear.gather [hbm4b:s8+s3], $0x80, $0x38;
	[tilespmem:$0x11080] =	vst v63  }
0x1b: {  	_ =	swait.ge [sflag:s13], $0x80  }
0x1c: {  	[sflag:s13] =	ssyncset.done $0x0  }
0x1d: {  	[sflag:s13] =	ssyncadd.s32 $0xFFFFFF80  }
0x1e: {  	[tilespmem:s14], [sflag:$0x5] =	stream.linear.gather [hbm4b:s5+s3], $0x1000, $0x38;
	[tilespmem:$0x11080] =	vst v63  }
0x1f: {  	_ =	swait.ge [sflag:s13], $0x1000  }
0x20: {  	[sflag:s13] =	ssyncset.done $0x0  }
0x21: {  	[sflag:s13] =	ssyncadd.s32 $0xFFFFF000  }
0x22: {  	v0 =	vld [tilespmem:$0x0];
	_ =	sdelay $0x4  }
0x23: {  	v0 =	vshll.u32 v0, $0xA  }
0x24: {  	(v2sf) =	vpush v0, $0x0  }
0x25: {  	(v2sf) =	vpush v0, $0x1  }
0x26: {  	(v2sf) =	vpush v0, $0x2  }
0x27: {  	(v2sf) =	vpush v0, $0x3  }
0x28: {  	(v2sf) =	vpush v0, $0x4  }
0x29: {  	(v2sf) =	vpush v0, $0x5  }
0x2a: {  	(v2sf) =	vpush v0, $0x6  }
0x2b: {  	(v2sf) =	vpush v0, $0x7  }
0x2c: {  	(v2sf) =	vpush v0, $0x8  }
0x2d: {  	(v2sf) =	vpush v0, $0x9  }
0x2e: {  	v1 =	vld [tilespmem:$0x10];
	(v2sf) =	vpush v0, $0xA  }
0x2f: {  	(v2sf) =	vpush v0, $0xB  }
0x30: {  	(v2sf) =	vpush v0, $0xC  }
0x31: {  	(v2sf) =	vpush v0, $0xD  }
0x32: {  	(v2sf) =	vpush v0, $0xE  }
0x33: {  	v51 =	vshll.u32 v1, $0xA;
	s0 =	spop (v2sf);
	(v2sf) =	vpush v0, $0xF  }
0x34: {  	[smem:$0x0] =	sst s0;
	s24 =	spop (v2sf);
	(v2sf) =	vpush v51, $0x0  }
0x35: {  	[smem:$0x1] =	sst s24;
	s25 =	spop (v2sf);
	(v2sf) =	vpush v51, $0x1  }
0x36: {  	[smem:$0x2] =	sst s25;
	s26 =	spop (v2sf);
	(v2sf) =	vpush v51, $0x2  }
0x37: {  	[smem:$0x3] =	sst s26;
	s28 =	spop (v2sf);
	(v2sf) =	vpush v51, $0x3  }
0x38: {  	[smem:$0x4] =	sst s28;
	s29 =	spop (v2sf);
	(v2sf) =	vpush v51, $0x4  }
0x39: {  	[smem:$0x5] =	sst s29;
	s30 =	spop (v2sf);
	(v2sf) =	vpush v51, $0x5  }
0x3a: {  	[smem:$0x6] =	sst s30;
	s31 =	spop (v2sf);
	(v2sf) =	vpush v51, $0x6  }
0x3b: {  	[smem:$0x7] =	sst s31;
	s1 =	spop (v2sf);
	(v2sf) =	vpush v51, $0x7  }
0x3c: {  	[smem:$0x8] =	sst s1;
	s22 =	spop (v2sf);
	(v2sf) =	vpush v51, $0x8  }
0x3d: {  	[smem:$0x9] =	sst s22;
	s23 =	spop (v2sf);
	(v2sf) =	vpush v51, $0x9  }
0x3e: {  	v52 =	vld [tilespmem:$0x20];
	[smem:$0xA] =	sst s23;
	s24 =	spop (v2sf);
	(v2sf) =	vpush v51, $0xA  }
0x3f: {  	[smem:$0xB] =	sst s24;
	s25 =	spop (v2sf);
	(v2sf) =	vpush v51, $0xB  }
0x40: {  	[smem:$0xC] =	sst s25;
	s26 =	spop (v2sf);
	(v2sf) =	vpush v51, $0xC  }
0x41: {  	[smem:$0xD] =	sst s26;
	s28 =	spop (v2sf);
	(v2sf) =	vpush v51, $0xD  }
0x42: {  	[smem:$0xE] =	sst s28;
	s29 =	spop (v2sf);
	(v2sf) =	vpush v51, $0xE  }
0x43: {  	v53 =	vshll.u32 v52, $0xA;
	[smem:$0xF] =	sst s29;
	s30 =	spop (v2sf);
	(v2sf) =	vpush v51, $0xF  }
0x44: {  	[smem:$0x10] =	sst s30;
	s31 =	spop (v2sf);
	(v2sf) =	vpush v53, $0x0  }
0x45: {  	[smem:$0x11] =	sst s31;
	s1 =	spop (v2sf);
	(v2sf) =	vpush v53, $0x1  }
0x46: {  	[smem:$0x12] =	sst s1;
	s22 =	spop (v2sf);
	(v2sf) =	vpush v53, $0x2  }
0x47: {  	[smem:$0x13] =	sst s22;
	s23 =	spop (v2sf);
	(v2sf) =	vpush v53, $0x3  }
0x48: {  	[smem:$0x14] =	sst s23;
	s24 =	spop (v2sf);
	(v2sf) =	vpush v53, $0x4  }
0x49: {  	[smem:$0x15] =	sst s24;
	s25 =	spop (v2sf);
	(v2sf) =	vpush v53, $0x5  }
0x4a: {  	[smem:$0x16] =	sst s25;
	s26 =	spop (v2sf);
	(v2sf) =	vpush v53, $0x6  }
0x4b: {  	[smem:$0x17] =	sst s26;
	s28 =	spop (v2sf);
	(v2sf) =	vpush v53, $0x7  }
0x4c: {  	[smem:$0x18] =	sst s28;
	s29 =	spop (v2sf);
	(v2sf) =	vpush v53, $0x8  }
0x4d: {  	[smem:$0x19] =	sst s29;
	s30 =	spop (v2sf);
	(v2sf) =	vpush v53, $0x9  }
0x4e: {  	v54 =	vld [tilespmem:$0x30];
	[smem:$0x1A] =	sst s30;
	s31 =	spop (v2sf);
	(v2sf) =	vpush v53, $0xA  }
0x4f: {  	[smem:$0x1B] =	sst s31;
	s1 =	spop (v2sf);
	(v2sf) =	vpush v53, $0xB  }
0x50: {  	[smem:$0x1C] =	sst s1;
	s22 =	spop (v2sf);
	(v2sf) =	vpush v53, $0xC  }
0x51: {  	[smem:$0x1D] =	sst s22;
	s23 =	spop (v2sf);
	(v2sf) =	vpush v53, $0xD  }
0x52: {  	[smem:$0x1E] =	sst s23;
	s24 =	spop (v2sf);
	(v2sf) =	vpush v53, $0xE  }
0x53: {  	v55 =	vshll.u32 v54, $0xA;
	[smem:$0x1F] =	sst s24;
	s25 =	spop (v2sf);
	(v2sf) =	vpush v53, $0xF  }
0x54: {  	[smem:$0x20] =	sst s25;
	s26 =	spop (v2sf);
	(v2sf) =	vpush v55, $0x0  }
0x55: {  	[smem:$0x21] =	sst s26;
	s28 =	spop (v2sf);
	(v2sf) =	vpush v55, $0x1  }
0x56: {  	[smem:$0x22] =	sst s28;
	s29 =	spop (v2sf);
	(v2sf) =	vpush v55, $0x2  }
0x57: {  	[smem:$0x23] =	sst s29;
	s30 =	spop (v2sf);
	(v2sf) =	vpush v55, $0x3  }
0x58: {  	[smem:$0x24] =	sst s30;
	s31 =	spop (v2sf);
	(v2sf) =	vpush v55, $0x4  }
0x59: {  	[smem:$0x25] =	sst s31;
	s1 =	spop (v2sf);
	(v2sf) =	vpush v55, $0x5  }
0x5a: {  	[smem:$0x26] =	sst s1;
	s22 =	spop (v2sf);
	(v2sf) =	vpush v55, $0x6  }
0x5b: {  	[smem:$0x27] =	sst s22;
	s23 =	spop (v2sf);
	(v2sf) =	vpush v55, $0x7  }
0x5c: {  	[smem:$0x28] =	sst s23;
	s24 =	spop (v2sf);
	(v2sf) =	vpush v55, $0x8  }
0x5d: {  	[smem:$0x29] =	sst s24;
	s25 =	spop (v2sf);
	(v2sf) =	vpush v55, $0x9  }
0x5e: {  	v56 =	vld [tilespmem:$0x40];
	[smem:$0x2A] =	sst s25;
	s26 =	spop (v2sf);
	(v2sf) =	vpush v55, $0xA  }
0x5f: {  	[smem:$0x2B] =	sst s26;
	s28 =	spop (v2sf);
	(v2sf) =	vpush v55, $0xB  }
0x60: {  	[smem:$0x2C] =	sst s28;
	s29 =	spop (v2sf);
	(v2sf) =	vpush v55, $0xC  }
0x61: {  	[smem:$0x2D] =	sst s29;
	s30 =	spop (v2sf);
	(v2sf) =	vpush v55, $0xD  }
0x62: {  	[smem:$0x2E] =	sst s30;
	s31 =	spop (v2sf);
	(v2sf) =	vpush v55, $0xE  }
0x63: {  	v57 =	vshll.u32 v56, $0xA;
	[smem:$0x2F] =	sst s31;
	s1 =	spop (v2sf);
	(v2sf) =	vpush v55, $0xF  }
0x64: {  	[smem:$0x30] =	sst s1;
	s22 =	spop (v2sf);
	(v2sf) =	vpush v57, $0x0  }
0x65: {  	[smem:$0x31] =	sst s22;
	s23 =	spop (v2sf);
	(v2sf) =	vpush v57, $0x1  }
0x66: {  	[smem:$0x32] =	sst s23;
	s24 =	spop (v2sf);
	(v2sf) =	vpush v57, $0x2  }
0x67: {  	[smem:$0x33] =	sst s24;
	s25 =	spop (v2sf);
	(v2sf) =	vpush v57, $0x3  }
0x68: {  	[smem:$0x34] =	sst s25;
	s26 =	spop (v2sf);
	(v2sf) =	vpush v57, $0x4  }
0x69: {  	[smem:$0x35] =	sst s26;
	s28 =	spop (v2sf);
	(v2sf) =	vpush v57, $0x5  }
0x6a: {  	[smem:$0x36] =	sst s28;
	s29 =	spop (v2sf);
	(v2sf) =	vpush v57, $0x6  }
0x6b: {  	[smem:$0x37] =	sst s29;
	s30 =	spop (v2sf);
	(v2sf) =	vpush v57, $0x7  }
0x6c: {  	[smem:$0x38] =	sst s30;
	s31 =	spop (v2sf);
	(v2sf) =	vpush v57, $0x8  }
0x6d: {  	[smem:$0x39] =	sst s31;
	s1 =	spop (v2sf);
	(v2sf) =	vpush v57, $0x9  }
0x6e: {  	v58 =	vld [tilespmem:$0x50];
	[smem:$0x3A] =	sst s1;
	s22 =	spop (v2sf);
	(v2sf) =	vpush v57, $0xA  }
0x6f: {  	[smem:$0x3B] =	sst s22;
	s23 =	spop (v2sf);
	(v2sf) =	vpush v57, $0xB  }
0x70: {  	[smem:$0x3C] =	sst s23;
	s24 =	spop (v2sf);
	(v2sf) =	vpush v57, $0xC  }
0x71: {  	[smem:$0x3D] =	sst s24;
	s25 =	spop (v2sf);
	(v2sf) =	vpush v57, $0xD  }
0x72: {  	[smem:$0x3E] =	sst s25;
	s26 =	spop (v2sf);
	(v2sf) =	vpush v57, $0xE  }
0x73: {  	v59 =	vshll.u32 v58, $0xA;
	[smem:$0x3F] =	sst s26;
	s28 =	spop (v2sf);
	(v2sf) =	vpush v57, $0xF  }
0x74: {  	[smem:$0x40] =	sst s28;
	s29 =	spop (v2sf);
	(v2sf) =	vpush v59, $0x0  }
0x75: {  	[smem:$0x41] =	sst s29;
	s30 =	spop (v2sf);
	(v2sf) =	vpush v59, $0x1  }
0x76: {  	[smem:$0x42] =	sst s30;
	s31 =	spop (v2sf);
	(v2sf) =	vpush v59, $0x2  }
0x77: {  	[smem:$0x43] =	sst s31;
	s1 =	spop (v2sf);
	(v2sf) =	vpush v59, $0x3  }
0x78: {  	[smem:$0x44] =	sst s1;
	s22 =	spop (v2sf);
	(v2sf) =	vpush v59, $0x4  }
0x79: {  	[smem:$0x45] =	sst s22;
	s23 =	spop (v2sf);
	(v2sf) =	vpush v59, $0x5  }
0x7a: {  	[smem:$0x46] =	sst s23;
	s24 =	spop (v2sf);
	(v2sf) =	vpush v59, $0x6  }
0x7b: {  	[smem:$0x47] =	sst s24;
	s25 =	spop (v2sf);
	(v2sf) =	vpush v59, $0x7  }
0x7c: {  	[smem:$0x48] =	sst s25;
	s26 =	spop (v2sf);
	(v2sf) =	vpush v59, $0x8  }
0x7d: {  	[smem:$0x49] =	sst s26;
	s28 =	spop (v2sf);
	(v2sf) =	vpush v59, $0x9  }
0x7e: {  	v60 =	vld [tilespmem:$0x60];
	[smem:$0x4A] =	sst s28;
	s29 =	spop (v2sf);
	(v2sf) =	vpush v59, $0xA  }
0x7f: {  	[smem:$0x4B] =	sst s29;
	s30 =	spop (v2sf);
	(v2sf) =	vpush v59, $0xB  }
0x80: {  	[smem:$0x4C] =	sst s30;
	s31 =	spop (v2sf);
	(v2sf) =	vpush v59, $0xC  }
0x81: {  	[smem:$0x4D] =	sst s31;
	s1 =	spop (v2sf);
	(v2sf) =	vpush v59, $0xD  }
0x82: {  	[smem:$0x4E] =	sst s1;
	s22 =	spop (v2sf);
	(v2sf) =	vpush v59, $0xE  }
0x83: {  	v61 =	vshll.u32 v60, $0xA;
	[smem:$0x4F] =	sst s22;
	s23 =	spop (v2sf);
	(v2sf) =	vpush v59, $0xF  }
0x84: {  	[smem:$0x50] =	sst s23;
	s24 =	spop (v2sf);
	(v2sf) =	vpush v61, $0x0  }
0x85: {  	[smem:$0x51] =	sst s24;
	s25 =	spop (v2sf);
	(v2sf) =	vpush v61, $0x1  }
0x86: {  	[smem:$0x52] =	sst s25;
	s26 =	spop (v2sf);
	(v2sf) =	vpush v61, $0x2  }
0x87: {  	[smem:$0x53] =	sst s26;
	s28 =	spop (v2sf);
	(v2sf) =	vpush v61, $0x3  }
0x88: {  	[smem:$0x54] =	sst s28;
	s29 =	spop (v2sf);
	(v2sf) =	vpush v61, $0x4  }
0x89: {  	[smem:$0x55] =	sst s29;
	s30 =	spop (v2sf);
	(v2sf) =	vpush v61, $0x5  }
0x8a: {  	[smem:$0x56] =	sst s30;
	s31 =	spop (v2sf);
	(v2sf) =	vpush v61, $0x6  }
0x8b: {  	[smem:$0x57] =	sst s31;
	s1 =	spop (v2sf);
	(v2sf) =	vpush v61, $0x7  }
0x8c: {  	[smem:$0x58] =	sst s1;
	s22 =	spop (v2sf);
	(v2sf) =	vpush v61, $0x8  }
0x8d: {  	[smem:$0x59] =	sst s22;
	s23 =	spop (v2sf);
	(v2sf) =	vpush v61, $0x9  }
0x8e: {  	v62 =	vld [tilespmem:$0x70];
	[smem:$0x5A] =	sst s23;
	s24 =	spop (v2sf);
	(v2sf) =	vpush v61, $0xA  }
0x8f: {  	[smem:$0x5B] =	sst s24;
	s25 =	spop (v2sf);
	(v2sf) =	vpush v61, $0xB  }
0x90: {  	[smem:$0x5C] =	sst s25;
	s26 =	spop (v2sf);
	(v2sf) =	vpush v61, $0xC  }
0x91: {  	[smem:$0x5D] =	sst s26;
	s28 =	spop (v2sf);
	(v2sf) =	vpush v61, $0xD  }
0x92: {  	[smem:$0x5E] =	sst s28;
	s29 =	spop (v2sf);
	(v2sf) =	vpush v61, $0xE  }
0x93: {  	v63 =	vshll.u32 v62, $0xA;
	(v2sf) =	vpush v61, $0xF;
	[smem:$0x5F] =	sst s29;
	s30 =	spop (v2sf)  }
0x94: {  	[smem:$0x60] =	sst s30;
	s31 =	spop (v2sf);
	(v2sf) =	vpush v63, $0x0  }
0x95: {  	[smem:$0x61] =	sst s31;
	s1 =	spop (v2sf);
	(v2sf) =	vpush v63, $0x1  }
0x96: {  	[smem:$0x62] =	sst s1;
	s22 =	spop (v2sf);
	(v2sf) =	vpush v63, $0x2  }
0x97: {  	[smem:$0x63] =	sst s22;
	s23 =	spop (v2sf);
	(v2sf) =	vpush v63, $0x3  }
0x98: {  	[smem:$0x64] =	sst s23;
	s24 =	spop (v2sf);
	(v2sf) =	vpush v63, $0x4  }
0x99: {  	[smem:$0x65] =	sst s24;
	s25 =	spop (v2sf);
	(v2sf) =	vpush v63, $0x5  }
0x9a: {  	[smem:$0x66] =	sst s25;
	s26 =	spop (v2sf);
	(v2sf) =	vpush v63, $0x6  }
0x9b: {  	[smem:$0x67] =	sst s26;
	s28 =	spop (v2sf);
	(v2sf) =	vpush v63, $0x7  }
0x9c: {  	[smem:$0x68] =	sst s28;
	s29 =	spop (v2sf);
	(v2sf) =	vpush v63, $0x8  }
0x9d: {  	[smem:$0x69] =	sst s29;
	s30 =	spop (v2sf);
	(v2sf) =	vpush v63, $0x9  }
0x9e: {  	[smem:$0x6A] =	sst s30;
	s31 =	spop (v2sf);
	(v2sf) =	vpush v63, $0xA  }
0x9f: {  	[smem:$0x6B] =	sst s31;
	s1 =	spop (v2sf);
	(v2sf) =	vpush v63, $0xB  }
0xa0: {  	[smem:$0x6C] =	sst s1;
	s22 =	spop (v2sf);
	(v2sf) =	vpush v63, $0xC  }
0xa1: {  	[smem:$0x6D] =	sst s22;
	s23 =	spop (v2sf);
	(v2sf) =	vpush v63, $0xD  }
0xa2: {  	[smem:$0x6E] =	sst s23;
	s24 =	spop (v2sf);
	(v2sf) =	vpush v63, $0xE  }
0xa3: {  	[smem:$0x6F] =	sst s24;
	s25 =	spop (v2sf);
	(v2sf) =	vpush v63, $0xF  }
0xa4: {  	[smem:$0x70] =	sst s25;
	s26 =	spop (v2sf)  }
0xa5: {  	[smem:$0x71] =	sst s26;
	s28 =	spop (v2sf)  }
0xa6: {  	[smem:$0x72] =	sst s28;
	s29 =	spop (v2sf)  }
0xa7: {  	[smem:$0x73] =	sst s29;
	s30 =	spop (v2sf)  }
0xa8: {  	[smem:$0x74] =	sst s30;
	s31 =	spop (v2sf)  }
0xa9: {  	[smem:$0x75] =	sst s31;
	s1 =	spop (v2sf)  }
0xaa: {  	[smem:$0x76] =	sst s1;
	s22 =	spop (v2sf)  }
0xab: {  	[smem:$0x77] =	sst s22;
	s23 =	spop (v2sf)  }
0xac: {  	[smem:$0x78] =	sst s23;
	s24 =	spop (v2sf)  }
0xad: {  	[smem:$0x79] =	sst s24;
	s25 =	spop (v2sf)  }
0xae: {  	[smem:$0x7A] =	sst s25;
	s26 =	spop (v2sf)  }
0xaf: {  	[smem:$0x7B] =	sst s26;
	s28 =	spop (v2sf)  }
0xb0: {  	[smem:$0x7C] =	sst s28;
	s29 =	spop (v2sf)  }
0xb1: {  	[smem:$0x7D] =	sst s29;
	s30 =	spop (v2sf)  }
0xb2: {  	[smem:$0x7E] =	sst s30;
	s31 =	spop (v2sf)  }
0xb3: {  	s22 =	simm.s32 $0x0;
	[smem:$0x7F] =	sst s31  }
.LBB2_2:
0xb4: {  	_ =	swait.ge [sflag:s15], $0x4000  }
0xb5: {  	p0 =	seq.s32 s22, $0x0;
	[sflag:s15] =	ssyncset.done $0x0  }
0xb6: {  	s0 =	simm.s32 @!p0 $0x3;
	[sflag:s15] =	ssyncadd.s32 $0xFFFFC000  }
0xb7: {  	s23 =	sshll.u32 s22, $0x5;
	_ =	swait.ge @!p0 [sflag:s0], $0x4000  }
0xb8: {  	s25 =	simm.s32 $0x0;
	s26 =	simm.s32 $0x0;
	[sflag:s0] =	ssyncset.done @!p0 $0x0  }
0xb9: {  	s28 =	simm.s32 $0x0;
	s24 =	sor.u32 s4, s23;
	[sflag:s0] =	ssyncadd.s32 @!p0 $0xFFFFC000  }
.LBB2_3:
0xba: {  	s1 =	sshll.u32 s26, $0x2;
	s29 =	sand.u32 $0x7, s25  }
0xbb: {  	s0 =	sld [smem:s23+s28];
	s1 =	sand.u32 $0xFFFF8000, s1;
	s29 =	sshll.u32 s29, $0x9  }
0xbc: {  	s1 =	sor.u32 s29, s1  }
0xbd: {  	s1 =	sshrl.u32 s1, $0x2  }
0xbe: {  	s0 =	sshll.u32 s0, $0x2;
	s29 =	sadd.s32 $0x10C0, s1  }
0xbf: {  	s0 =	sshra.s32 s0, $0x2;
	v0 =	vld [tilespmem:s29+$0x30]  }
0xc0: {  	s31 =	sadd.s32 $0xC0, s0;
	v14 =	vld [tilespmem:s29+$0xFFFFFFC0]  }
0xc1: {  	v1 =	vld [tilespmem:s31+$0x30]  }
0xc2: {  	v2 =	vld [tilespmem:s31+$0xFFFFFFD0]  }
0xc3: {  	v4 =	vld [tilespmem:s31+$0xFFFFFFF0]  }
0xc4: {  	v10 =	vld [tilespmem:s31+$0x10]  }
0xc5: {  	v3 =	vld [tilespmem:s31+$0xFFFFFFE0]  }
0xc6: {  	v5 =	vld [tilespmem:s31+$0x0]  }
0xc7: {  	v17 =	vld [tilespmem:s31+$0xFFFFFFC0]  }
0xc8: {  	v15 =	vld [tilespmem:s31+$0x20];
	v6 =	vand.u32 $0xFFFF0000, v1;
	v19 =	vand.u32 $0xFFFF0000, v2  }
0xc9: {  	v20 =	vld [tilespmem:s29+$0xFFFFFFD0];
	v9 =	vand.u32 $0xFFFF0000, v4;
	v8 =	vand.u32 $0xFFFF0000, v10;
	v7 =	vmul.f32 v6, v0  }
0xca: {  	v11 =	vld [tilespmem:s29+$0xFFFFFFE0];
	v0 =	vshll.u32 v2, $0x10;
	v2 =	vshll.u32 v1, $0x10;
	v6 =	vand.u32 $0xFFFF0000, v3  }
0xcb: {  	v12 =	vld [tilespmem:s29+$0xFFFFFFF0];
	v1 =	vshll.u32 v3, $0x10;
	v3 =	vshll.u32 v5, $0x10;
	v18 =	vadd.f32 v2, v7  }
0xcc: {  	v13 =	vld [tilespmem:s29+$0x0];
	v2 =	vshll.u32 v4, $0x10;
	v7 =	vand.u32 $0xFFFF0000, v5;
	v5 =	vand.u32 $0xFFFF0000, v17  }
0xcd: {  	s30 =	sadd.s32 $0x90C0, s1;
	v4 =	vshll.u32 v10, $0x10;
	v10 =	vand.u32 $0xFFFF0000, v15;
	v16 =	vmul.f32 v5, v14;
	v14 =	vld [tilespmem:s29+$0x10]  }
0xce: {  	s0 =	simm.s32 $0x0;
	s1 =	sadd.s32 $0x80, s31;
	v5 =	vshll.u32 v15, $0x10;
	v15 =	vld [tilespmem:s29+$0x20];
	[tilespmem:s30+$0x30] =	vst v18;
	v18 =	vshll.u32 v17, $0x10;
	v17 =	vmul.f32 v19, v20  }
.LBB2_4:
0xcf: {  	v19 =	vld [tilespmem:s1+$0x30];
	s0 =	sadd.s32 $0x8, s0;
	v16 =	vadd.f32 v18, v16;
	v6 =	vmul.f32 v6, v11;
	s29 =	sadd.s32 $0x400, s29  }
0xd0: {  	v11 =	vld [tilespmem:s29+$0x30];
	p1 =	slt.u32 s0, $0x38;
	v0 =	vadd.f32 v0, v17;
	v9 =	vmul.f32 v9, v12  }
0xd1: {  	v12 =	vld [tilespmem:s1+$0xFFFFFFD0];
	[tilespmem:s30+$0xFFFFFFC0] =	vst v16;
	v1 =	vadd.f32 v1, v6;
	v6 =	vmul.f32 v7, v13  }
0xd2: {  	v7 =	vld [tilespmem:s1+$0xFFFFFFE0];
	[tilespmem:s30+$0xFFFFFFD0] =	vst v0;
	v0 =	vadd.f32 v2, v9;
	v2 =	vmul.f32 v8, v14  }
0xd3: {  	v8 =	vld [tilespmem:s1+$0xFFFFFFF0];
	[tilespmem:s30+$0xFFFFFFE0] =	vst v1;
	v1 =	vadd.f32 v3, v6;
	v3 =	vmul.f32 v10, v15  }
0xd4: {  	v10 =	vld [tilespmem:s1+$0x0];
	v6 =	vand.u32 $0xFFFF0000, v19;
	[tilespmem:s30+$0xFFFFFFF0] =	vst v0;
	v2 =	vadd.f32 v4, v2  }
0xd5: {  	v4 =	vld [tilespmem:s1+$0x10];
	v9 =	vmul.f32 v6, v11;
	[tilespmem:s30+$0x0] =	vst v1;
	v3 =	vadd.f32 v5, v3  }
0xd6: {  	v11 =	vshll.u32 v19, $0x10;
	v15 =	vand.u32 $0xFFFF0000, v12;
	v0 =	vshll.u32 v12, $0x10;
	v5 =	vld [tilespmem:s1+$0x20];
	[tilespmem:s30+$0x10] =	vst v2  }
0xd7: {  	v13 =	vld [tilespmem:s1+$0xFFFFFFC0];
	v6 =	vand.u32 $0xFFFF0000, v7;
	v1 =	vshll.u32 v7, $0x10;
	v11 =	vadd.f32 v11, v9;
	[tilespmem:s30+$0x20] =	vst v3  }
0xd8: {  	s30 =	sadd.s32 $0x400, s30;
	v14 =	vld [tilespmem:s29+$0xFFFFFFC0];
	v9 =	vand.u32 $0xFFFF0000, v8;
	v2 =	vshll.u32 v8, $0x10  }
0xd9: {  	v17 =	vld [tilespmem:s29+$0xFFFFFFD0];
	v7 =	vand.u32 $0xFFFF0000, v10;
	v3 =	vshll.u32 v10, $0x10;
	[tilespmem:s30+$0x30] =	vst v11  }
.Ltmp2:
0xda: {  	v11 =	vld [tilespmem:s29+$0xFFFFFFE0];
	v8 =	vand.u32 $0xFFFF0000, v4;
	v4 =	vshll.u32 v4, $0x10;
	(pc) =	sbr.rel @p1 .LBB2_4-.Ltmp2, $4  }
0xdb: {  	v12 =	vld [tilespmem:s29+$0xFFFFFFF0];
	v10 =	vand.u32 $0xFFFF0000, v5;
	v5 =	vshll.u32 v5, $0x10  }
0xdc: {  	v16 =	vand.u32 $0xFFFF0000, v13;
	v18 =	vshll.u32 v13, $0x10;
	v13 =	vld [tilespmem:s29+$0x0]  }
0xdd: {  	v16 =	vmul.f32 v16, v14;
	v14 =	vld [tilespmem:s29+$0x10]  }
0xde: {  	s1 =	sadd.s32 $0x80, s1;
	v17 =	vmul.f32 v15, v17;
	v15 =	vld [tilespmem:s29+$0x20]  }
0xdf: {  	v16 =	vadd.f32 v18, v16;
	v6 =	vmul.f32 v6, v11  }
0xe0: {  	v0 =	vadd.f32 v0, v17;
	v9 =	vmul.f32 v9, v12  }
0xe1: {  	s28 =	sadd.s32 $0x1, s28;
	[tilespmem:s30+$0xFFFFFFC0] =	vst v16;
	v1 =	vadd.f32 v1, v6;
	v57 =	vmul.f32 v7, v13  }
0xe2: {  	p1 =	sne.s32 s28, $0x10;
	[tilespmem:s30+$0xFFFFFFD0] =	vst v0;
	v58 =	vadd.f32 v2, v9;
	v59 =	vmul.f32 v8, v14  }
.Ltmp3:
0xe3: {  	[tilespmem:s30+$0xFFFFFFE0] =	vst v1;
	v60 =	vadd.f32 v3, v57;
	v61 =	vmul.f32 v10, v15;
	(pc) =	sbr.rel @p1 .LBB2_3-.Ltmp3, $4  }
0xe4: {  	[tilespmem:s30+$0xFFFFFFF0] =	vst v58;
	v62 =	vadd.f32 v4, v59  }
0xe5: {  	[tilespmem:s30+$0x0] =	vst v60;
	v63 =	vadd.f32 v5, v61  }
0xe6: {  	[tilespmem:s30+$0x10] =	vst v62  }
0xe7: {  	s26 =	sadd.s32 $0x400, s26;
	s25 =	sadd.s32 $0x1, s25;
	[tilespmem:s30+$0x20] =	vst v63  }
0xe8: {  	s0 =	sshll.u32 s24, $0x7  }
0xe9: {  	p1 =	seq.s32 s22, $0x3;
	s1 =	sadd.s32 s2, s0  }
0xea: {  	[hbm4b:s1+s3] =	stream.linear.scatter [tilespmem:s16], [sflag:$0x3], $0x4000, $0x38;
	[tilespmem:$0x11080] =	vst v63  }
0xeb: {  	s0 =	sadd.s32 @!p1 s0, s9;
	s24 =	simm.s32 @!p1 $0x1080;
	s1 =	simm.s32 @!p1 $0x0  }
0xec: {  	[tilespmem:s24], [sflag:$0x1] =	stream.linear.gather @!p1 [hbm4b:s0+s1], $0x4000, $0x38;
	[tilespmem:$0x11080] =	vst v63  }
0xed: {  	_ =	swait.ge [sflag:s17], $0x4000  }
0xee: {  	[sflag:s17] =	ssyncset.done $0x0  }
0xef: {  	s0 =	simm.s32 @!p0 $0x4;
	[sflag:s17] =	ssyncadd.s32 $0xFFFFC000  }
0xf0: {  	s23 =	sor.u32 $0x10, s23;
	_ =	swait.ge @!p0 [sflag:s0], $0x4000  }
0xf1: {  	s25 =	simm.s32 $0x0;
	s26 =	simm.s32 $0x0;
	[sflag:s0] =	ssyncset.done @!p0 $0x0  }
0xf2: {  	s28 =	simm.s32 $0x0;
	s24 =	sor.u32 s4, s23;
	[sflag:s0] =	ssyncadd.s32 @!p0 $0xFFFFC000  }
.LBB2_7:
0xf3: {  	s1 =	sld [smem:s23+s28]  }
0xf4: {  	s0 =	sand.u32 $0x7, s26  }
0xf5: {  	s0 =	sshll.u32 s0, $0x9  }
0xf6: {  	s0 =	sshrl.u32 s0, $0x2;
	s1 =	sshll.u32 s1, $0x2  }
0xf7: {  	v0 =	vmov s0;
	s0 =	sshra.s32 s1, $0x2  }
0xf8: {  	s31 =	sadd.s32 $0xC0, s0  }
0xf9: {  	v1 =	vld [tilespmem:s31+$0x30]  }
0xfa: {  	v2 =	vld [tilespmem:s31+$0xFFFFFFD0]  }
0xfb: {  	v4 =	vld [tilespmem:s31+$0xFFFFFFE0]  }
0xfc: {  	v5 =	vld [tilespmem:s31+$0xFFFFFFF0]  }
0xfd: {  	s1 =	sand.u32 $0x3FFFE000, s25;
	v6 =	vld [tilespmem:s31+$0x0]  }
0xfe: {  	s29 =	sor.u32 $0x1080, s1;
	v12 =	vld [tilespmem:s31+$0x10]  }
0xff: {  	v3 =	vld.idx.msk [tilespmem:v0+s29+$0x4070 ss:$0x1], $0xffff  }
0x100: {  	v19 =	vld [tilespmem:s31+$0xFFFFFFC0]  }
0x101: {  	v18 =	vld [tilespmem:s31+$0x20]  }
0x102: {  	v20 =	vld.idx.msk [tilespmem:v0+s29+$0x4000 ss:$0x1], $0xffff;
	v8 =	vand.u32 $0xFFFF0000, v1  }
0x103: {  	v13 =	vld.idx.msk [tilespmem:v0+s29+$0x4010 ss:$0x1], $0xffff;
	v7 =	vand.u32 $0xFFFF0000, v2;
	v2 =	vshll.u32 v2, $0x10;
	v1 =	vshll.u32 v1, $0x10  }
0x104: {  	v14 =	vld.idx.msk [tilespmem:v0+s29+$0x4020 ss:$0x1], $0xffff;
	v9 =	vand.u32 $0xFFFF0000, v5;
	v11 =	vand.u32 $0xFFFF0000, v12;
	v10 =	vmul.f32 v8, v3  }
0x105: {  	v15 =	vld.idx.msk [tilespmem:v0+s29+$0x4030 ss:$0x1], $0xffff;
	v21 =	vand.u32 $0xFFFF0000, v19;
	v19 =	vshll.u32 v19, $0x10;
	v8 =	vand.u32 $0xFFFF0000, v4  }
0x106: {  	v17 =	vld.idx.msk [tilespmem:v0+s29+$0x4040 ss:$0x1], $0xffff;
	v3 =	vshll.u32 v4, $0x10;
	v4 =	vshll.u32 v5, $0x10;
	v1 =	vadd.f32 v1, v10  }
0x107: {  	s30 =	sadd.s32 $0x9080, s1;
	v16 =	vld.idx.msk [tilespmem:v0+s29+$0x4050 ss:$0x1], $0xffff;
	v5 =	vshll.u32 v6, $0x10;
	v20 =	vmul.f32 v21, v20;
	v10 =	vand.u32 $0xFFFF0000, v6  }
0x108: {  	s0 =	simm.s32 $0x0;
	s1 =	sadd.s32 $0x80, s31;
	s31 =	smov.u32 s30;
	v6 =	vshll.u32 v12, $0x10;
	v12 =	vand.u32 $0xFFFF0000, v18;
	[tilespmem:v0+s30+$0x4070 ss:$0x1] =	vst.idx.msk $0xffff, v1;
	v1 =	vshll.u32 v18, $0x10;
	v18 =	vld.idx.msk [tilespmem:v0+s29+$0x4060 ss:$0x1], $0xffff  }
.LBB2_8:
0x109: {  	v21 =	vld [tilespmem:s1+$0x30];
	v7 =	vmul.f32 v7, v13;
	s29 =	sadd.s32 $0x400, s29  }
0x10a: {  	s0 =	sadd.s32 $0x8, s0;
	v8 =	vmul.f32 v8, v14;
	v13 =	vld.idx.msk [tilespmem:v0+s29+$0x4070 ss:$0x1], $0xffff;
	v19 =	vadd.f32 v19, v20  }
0x10b: {  	p0 =	slt.u32 s0, $0x38;
	v14 =	vld [tilespmem:s1+$0xFFFFFFD0];
	v2 =	vadd.f32 v2, v7;
	v7 =	vmul.f32 v9, v15  }
0x10c: {  	v3 =	vadd.f32 v3, v8;
	v8 =	vmul.f32 v10, v17;
	v9 =	vld [tilespmem:s1+$0xFFFFFFE0];
	[tilespmem:v0+s30+$0x4000 ss:$0x1] =	vst.idx.msk $0xffff, v19  }
0x10d: {  	v10 =	vld [tilespmem:s1+$0xFFFFFFF0];
	[tilespmem:v0+s30+$0x4010 ss:$0x1] =	vst.idx.msk $0xffff, v2;
	v2 =	vadd.f32 v4, v7;
	v4 =	vmul.f32 v11, v16  }
0x10e: {  	v12 =	vmul.f32 v12, v18;
	v11 =	vld [tilespmem:s1+$0x0];
	[tilespmem:v0+s30+$0x4020 ss:$0x1] =	vst.idx.msk $0xffff, v3;
	v3 =	vadd.f32 v5, v8  }
0x10f: {  	v5 =	vand.u32 $0xFFFF0000, v21;
	v15 =	vld [tilespmem:s1+$0x10];
	[tilespmem:v0+s30+$0x4030 ss:$0x1] =	vst.idx.msk $0xffff, v2;
	v4 =	vadd.f32 v6, v4  }
0x110: {  	v5 =	vmul.f32 v5, v13;
	v7 =	vand.u32 $0xFFFF0000, v14;
	v2 =	vshll.u32 v14, $0x10;
	v16 =	vld [tilespmem:s1+$0x20];
	[tilespmem:v0+s30+$0x4040 ss:$0x1] =	vst.idx.msk $0xffff, v3  }
0x111: {  	v6 =	vshll.u32 v21, $0x10;
	v17 =	vld [tilespmem:s1+$0xFFFFFFC0];
	v8 =	vand.u32 $0xFFFF0000, v9;
	v3 =	vshll.u32 v9, $0x10;
	[tilespmem:v0+s30+$0x4050 ss:$0x1] =	vst.idx.msk $0xffff, v4  }
0x112: {  	v19 =	vadd.f32 v6, v5;
	v18 =	vld.idx.msk [tilespmem:v0+s29+$0x4000 ss:$0x1], $0xffff;
	v9 =	vand.u32 $0xFFFF0000, v10;
	v4 =	vshll.u32 v10, $0x10  }
0x113: {  	v20 =	vadd.f32 v1, v12;
	s30 =	sadd.s32 $0x400, s30;
	v13 =	vld.idx.msk [tilespmem:v0+s29+$0x4010 ss:$0x1], $0xffff;
	v10 =	vand.u32 $0xFFFF0000, v11;
	v5 =	vshll.u32 v11, $0x10  }
.Ltmp4:
0x114: {  	v14 =	vld.idx.msk [tilespmem:v0+s29+$0x4020 ss:$0x1], $0xffff;
	v11 =	vand.u32 $0xFFFF0000, v15;
	v6 =	vshll.u32 v15, $0x10;
	[tilespmem:v0+s30+$0x4070 ss:$0x1] =	vst.idx.msk $0xffff, v19;
	(pc) =	sbr.rel @p0 .LBB2_8-.Ltmp4, $4  }
0x115: {  	v15 =	vld.idx.msk [tilespmem:v0+s29+$0x4030 ss:$0x1], $0xffff;
	v12 =	vand.u32 $0xFFFF0000, v16;
	v1 =	vshll.u32 v16, $0x10;
	[tilespmem:v0+s31+$0x4060 ss:$0x1] =	vst.idx.msk $0xffff, v20;
	s31 =	smov.u32 s30  }
0x116: {  	v20 =	vand.u32 $0xFFFF0000, v17;
	v19 =	vshll.u32 v17, $0x10;
	v17 =	vld.idx.msk [tilespmem:v0+s29+$0x4040 ss:$0x1], $0xffff  }
0x117: {  	v16 =	vld.idx.msk [tilespmem:v0+s29+$0x4050 ss:$0x1], $0xffff  }
0x118: {  	s1 =	sadd.s32 $0x80, s1;
	v20 =	vmul.f32 v20, v18;
	v18 =	vld.idx.msk [tilespmem:v0+s29+$0x4060 ss:$0x1], $0xffff  }
0x119: {  	_ = 	snop  }
0x11a: {  	v7 =	vmul.f32 v7, v13  }
0x11b: {  	v8 =	vmul.f32 v8, v14;
	v56 =	vadd.f32 v19, v20  }
0x11c: {  	v57 =	vmul.f32 v9, v15;
	v2 =	vadd.f32 v2, v7  }
0x11d: {  	s28 =	sadd.s32 $0x1, s28;
	v3 =	vadd.f32 v3, v8;
	v58 =	vmul.f32 v10, v17;
	[tilespmem:v0+s30+$0x4000 ss:$0x1] =	vst.idx.msk $0xffff, v56  }
0x11e: {  	p0 =	sne.s32 s28, $0x10;
	v59 =	vadd.f32 v4, v57;
	v60 =	vmul.f32 v11, v16;
	[tilespmem:v0+s30+$0x4010 ss:$0x1] =	vst.idx.msk $0xffff, v2  }
.Ltmp5:
0x11f: {  	[tilespmem:v0+s30+$0x4020 ss:$0x1] =	vst.idx.msk $0xffff, v3;
	v61 =	vadd.f32 v5, v58;
	v62 =	vmul.f32 v12, v18;
	(pc) =	sbr.rel @p0 .LBB2_7-.Ltmp5, $4  }
0x120: {  	[tilespmem:v0+s30+$0x4030 ss:$0x1] =	vst.idx.msk $0xffff, v59;
	v63 =	vadd.f32 v6, v60  }
0x121: {  	[tilespmem:v0+s30+$0x4040 ss:$0x1] =	vst.idx.msk $0xffff, v61;
	v1 =	vadd.f32 v1, v62  }
0x122: {  	[tilespmem:v0+s30+$0x4050 ss:$0x1] =	vst.idx.msk $0xffff, v63  }
0x123: {  	s26 =	sadd.s32 $0x1, s26;
	s25 =	sadd.s32 $0x400, s25;
	[tilespmem:v0+s31+$0x4060 ss:$0x1] =	vst.idx.msk $0xffff, v1  }
.Ltmp6:
0x124: {  	(pc) =	sbr.rel @p1 .LBB2_12-.Ltmp6, $4  }
0x125: {  	_ = 	snop  }
0x126: {  	s0 =	sshll.u32 s24, $0x7  }
0x127: {  	s1 =	sadd.s32 s2, s0  }
0x128: {  	[hbm4b:s1+s3] =	stream.linear.scatter [tilespmem:s18], [sflag:$0x4], $0x4000, $0x38;
	[tilespmem:$0x11080] =	vst v63  }
.Ltmp7:
0x129: {  	(pc) =	sbr.rel .LBB2_2-.Ltmp7, $3  }
0x12a: {  	_ =	sdelay $0x1  }
0x12b: {  	s0 =	sadd.s32 s0, s9;
	s22 =	sadd.s32 $0x1, s22  }
0x12c: {  	[tilespmem:s12], [sflag:$0x2] =	stream.linear.gather [hbm4b:s0+s3], $0x4000, $0x38;
	[tilespmem:$0x11080] =	vst v63  }
.LBB2_13:
0x12d: {  	_ =	sfence.sel $0x180000  }
0x12e: {  	[bflag:$0x0] =	sbarrier.arrive $0xFFFF  }
0x12f: {  	_ =	strace $0x90000047  }
0x130: {  	s0 =	stileid.u32;
	[bflag:$0x2] =	sbarrier.arrive $0xFFFF  }
0x131: {  	p0 =	sne.s32 s0, $0x0;
	s0 =	rddreg [dreg:$0x4]  }
0x132: {  	s0 =	sadd.s32 @!p0 $0x100000, s0  }
0x133: {  	[sflag:s0] =	ssyncadd.tile.s32 @!p0 $0x1;
	_ =	shalt  }
.Lfunc_end2:
_tile_overlayer_lowered:
.L_overlay_start_2:
0x134: {  	(tag) =	ssettag $0x2  }
0x135: {  	s0 =	rddreg [dreg:$0x0];
	s2 =	stileid.u32  }
0x136: {  	s1 =	rddreg [dreg:$0x1];
	p0 =	sne.s32 s2, $0x0  }
0x137: {  	s3 =	rddreg [dreg:$0x2];
	[bflag:$0x3] =	sbarrier.arrive $0xFFFF;
	s2 =	simm.s32 @!p0 $0x1C05  }
0x138: {  	[timem:s3], [sflag:s2] =	dma.local @!p0 [hbm:s0], s1  }
0x139: {  	s0 =	simm.s32 @!p0 $0x5  }
0x13a: {  	_ =	swait.ge @!p0 [sflag:s0], s1  }
0x13b: {  	s1 =	ssub.s32 @!p0 $0x0, s1;
	[sflag:s0] =	ssyncset.done @!p0 $0x0  }
0x13c: {  	[sflag:s0] =	ssyncadd.s32 @!p0 s1  }
0x13d: {  	[bflag:$0x3] =	sbarrier.arrive $0xFFFF  }
0x13e: {  	_ =	shalt  }

</sc_bundles>
